<compile_context>
chip_gen: v7x
topology: tpu7x:2x2x1
jax: 0.10.2.dev20260603
libtpu: 0.0.44.dev20260713+nightly
codegen_flags: <defaults>
</compile_context>

<pallas_src>
import functools

import jax
import jax.numpy as jnp
import numpy as np
from jax import lax
from jax.experimental import pallas as pl
from jax.experimental.pallas import tpu as pltpu
from jax.experimental.pallas import tpu_sc as plsc

_B = 4096
_L = 200
_D = 64
_REGS = 1e-05

_NC = 2
_NS = 16
_NW = _NC * _NS
_TOT = _B * _L
_NH = 2
_BH = _B // _NH
_TOTH = _TOT // _NH
_PWH = _TOTH // _NW
_CH = 640
_SUB = 128
_NSUB = _CH // _SUB
_UPWH = _BH // _NW
_HALF = 6400
_NPH = _PWH // _HALF
_NTPH = _HALF // _CH

_BB = 64
_GRID = _B // _BB

def _threefry2x32_np(k1, k2, x0, x1):
    rot1 = (13, 15, 26, 6)
    rot2 = (17, 29, 16, 24)

    def rotl(x, r):
        return ((x << np.uint32(r)) | (x >> np.uint32(32 - r))).astype(np.uint32)

    ks = [k1, k2, np.uint32(k1 ^ k2 ^ np.uint32(0x1BD11BDA))]
    x0 = (x0 + ks[0]).astype(np.uint32)
    x1 = (x1 + ks[1]).astype(np.uint32)
    for i in range(5):
        for r in rot1 if i % 2 == 0 else rot2:
            x0 = (x0 + x1).astype(np.uint32)
            x1 = rotl(x1, r)
            x1 = (x1 ^ x0).astype(np.uint32)
        x0 = (x0 + ks[(i + 1) % 3]).astype(np.uint32)
        x1 = (x1 + ks[(i + 2) % 3] + np.uint32(i + 1)).astype(np.uint32)
    return x0, x1


def _gumbel_f32_np(seed, shape):
    n = int(np.prod(shape))
    o0, o1 = _threefry2x32_np(np.uint32(0), np.uint32(seed),
                              np.zeros(n, dtype=np.uint32),
                              np.arange(n, dtype=np.uint32))
    bits = o0 ^ o1
    float_bits = (bits >> np.uint32(32 - 23)) | np.uint32(0x3F800000)
    floats = float_bits.view(np.float32) - np.float32(1.0)
    tiny = np.float32(np.finfo(np.float32).tiny)
    u = np.maximum(tiny, floats * (np.float32(1.0) - tiny) + tiny)
    g = -np.log(-np.log(u.astype(np.float32)).astype(np.float32))
    return g.astype(np.float32).reshape(shape)


_GUM = _gumbel_f32_np(123, (_B, _L))
_BIDX = (np.arange(_BB * _L, dtype=np.int32) // _L).reshape(1, _BB * _L)


def _sc_gather(item_tab, items2d, user_tab, user_idx):
    mesh = plsc.VectorSubcoreMesh(core_axis_name="c", subcore_axis_name="s")

    @functools.partial(
        pl.kernel,
        out_type=(
            jax.ShapeDtypeStruct((_TOTH // 2, 2 * _D), jnp.float32),
            jax.ShapeDtypeStruct((_BH // 2, 2 * _D), jnp.float32),
        ),
        mesh=mesh,
        scratch_types=[
            pltpu.VMEM((_NSUB, _SUB), jnp.int32),
            pltpu.VMEM((_CH, _D), jnp.float32),
            pltpu.VMEM((_UPWH,), jnp.int32),
            pltpu.VMEM((_UPWH, _D), jnp.float32),
            pltpu.SemaphoreType.DMA,
            pltpu.SemaphoreType.DMA,
        ],
        compiler_params=pltpu.CompilerParams(use_tc_tiling_on_sc=False),
    )
    def k(item_hbm, iidx_hbm, user_hbm, uidx_hbm, g_out, ur_out,
          iidx_v, rows_v, uidx_v, urows_v, gsem, usem):
        cid = lax.axis_index("c")
        sid = lax.axis_index("s")
        wid = sid * _NC + cid

        ubase = wid * _UPWH
        pltpu.sync_copy(uidx_hbm.at[pl.ds(ubase, _UPWH)], uidx_v)
        pltpu.async_copy(user_hbm.at[uidx_v], urows_v, usem).wait()
        for q in range(2):
            pltpu.sync_copy(
                urows_v.at[pl.ds(q * 32, 32)],
                ur_out.at[pl.ds(wid * 32, 32), pl.ds(q * _D, _D)])

        for p in range(_NPH):
            lane0 = p * _D
            row_base = wid * _HALF
            idx_base = wid * (_PWH // _SUB) + p * (_HALF // _SUB)

            def chunk(t, carry, lane0=lane0, row_base=row_base,
                      idx_base=idx_base):
                pltpu.sync_copy(
                    iidx_hbm.at[pl.ds(idx_base + t * _NSUB, _NSUB)], iidx_v)
                descs = [
                    pltpu.async_copy(item_hbm.at[iidx_v.at[j]],
                                     rows_v.at[pl.ds(j * _SUB, _SUB)], gsem)
                    for j in range(_NSUB)
                ]
                for dsc in descs:
                    dsc.wait()
                pltpu.sync_copy(
                    rows_v,
                    g_out.at[pl.ds(row_base + t * _CH, _CH),
                             pl.ds(lane0, _D)])
                return carry

            lax.fori_loop(0, _NTPH, chunk, 0)

    return k(item_tab, items2d, user_tab, user_idx)


def _sum2(x):
    return jnp.sum(jnp.sum(x, axis=1, keepdims=True), axis=0, keepdims=True)


def _tc_body(ur_ref, g_ref, rew_ref, gum_ref, bidx_ref, uwt_ref, ub_ref,
             iw_ref, ib_row_ref, ib_col_ref, gan_ref, reg_ref):
    i = pl.program_id(0)
    blk = _BB * _L
    ur128 = ur_ref[...]
    ur = jnp.concatenate([ur128[:, :_D], ur128[:, _D:]], axis=0)
    ue = jnp.dot(ur, uwt_ref[...],
                 preferred_element_type=jnp.float32) + ub_ref[...]
    g128 = g_ref[...]
    iw = iw_ref[...]
    ie_raw_t = jnp.concatenate(
        [lax.dot_general(iw, g128[:, :_D], (((1,), (1,)), ((), ())),
                         preferred_element_type=jnp.float32),
         lax.dot_general(iw, g128[:, _D:], (((1,), (1,)), ((), ())),
                         preferred_element_type=jnp.float32)],
        axis=1)
    uet = (ue - ib_row_ref[...]).T
    iota_b = lax.broadcasted_iota(jnp.int32, (_BB, blk), 0)
    rep = (bidx_ref[...] == iota_b).astype(jnp.float32)
    ue_rep = jnp.dot(uet, rep, preferred_element_type=jnp.float32)
    diff = ue_rep - ie_raw_t
    d2r = jnp.sum(diff * diff, axis=0, keepdims=True)
    d2g = jnp.concatenate(
        [lax.slice(d2r, (0, j * _L), (1, (j + 1) * _L))
         for j in range(_BB)], axis=0)
    d = jnp.sqrt(d2g + 1e-12)
    ie_t = ie_raw_t + ib_col_ref[...]
    e = jnp.exp(d)
    s = jnp.sum(e, axis=-1, keepdims=True)
    scores = d + gum_ref[...]
    mx = jnp.max(scores, axis=-1, keepdims=True)
    iota = lax.broadcasted_iota(jnp.int32, (_BB, _L), 1)
    sel = jnp.where(scores == mx, iota, jnp.int32(2 ** 30))
    sid = jnp.min(sel, axis=-1, keepdims=True)
    onehot = iota == sid
    d_sel = jnp.sum(jnp.where(onehot, d, 0.0), axis=-1, keepdims=True)
    r_sel = jnp.sum(jnp.where(onehot, rew_ref[...], 0.0), axis=-1,
                    keepdims=True)
    lp_sel = d_sel - jnp.log(s)
    gan_part = _sum2(lp_sel * r_sel)
    reg_part = _sum2(ue * ue) + jnp.sum(ie_t * ie_t).reshape(1, 1)

    @pl.when(i == 0)
    def _init():
        gan_ref[...] = jnp.zeros((1, 1), jnp.float32)
        reg_ref[...] = jnp.zeros((1, 1), jnp.float32)

    gan_ref[...] += gan_part
    reg_ref[...] += reg_part


def _tc_losses(ur, g2, reward, gum, bidx, uwt, ub, iw, ib_row, ib_col):
    return pl.pallas_call(
        _tc_body,
        grid=(_BH // _BB,),
        in_specs=[
            pl.BlockSpec((_BB // 2, 2 * _D), lambda i: (i, 0)),
            pl.BlockSpec((_BB * _L // 2, 2 * _D), lambda i: (i, 0)),
            pl.BlockSpec((_BB, _L), lambda i: (i, 0)),
            pl.BlockSpec((_BB, _L), lambda i: (i, 0)),
            pl.BlockSpec((1, _BB * _L), lambda i: (0, 0)),
            pl.BlockSpec((_D, _D), lambda i: (0, 0)),
            pl.BlockSpec((1, _D), lambda i: (0, 0)),
            pl.BlockSpec((_D, _D), lambda i: (0, 0)),
            pl.BlockSpec((1, _D), lambda i: (0, 0)),
            pl.BlockSpec((_D, 1), lambda i: (0, 0)),
        ],
        out_specs=[
            pl.BlockSpec((1, 1), lambda i: (0, 0)),
            pl.BlockSpec((1, 1), lambda i: (0, 0)),
        ],
        out_shape=[
            jax.ShapeDtypeStruct((1, 1), jnp.float32),
            jax.ShapeDtypeStruct((1, 1), jnp.float32),
        ],
    )(ur, g2, reward, gum, bidx, uwt, ub, iw, ib_row, ib_col)


def kernel(user, items, reward, user_embedding, item_embedding,
           umlp_w, umlp_b, imlp_w, imlp_b):
    items2d = items.astype(jnp.int32).reshape(_TOT // _SUB, _SUB)
    user_i = user.astype(jnp.int32)
    uwt = umlp_w.T
    ubr = umlp_b.reshape(1, _D)
    ibr = imlp_b.reshape(1, _D)
    ibc = imlp_b.reshape(_D, 1)

    nrow = _TOTH // _SUB
    gan_sum = jnp.zeros((), jnp.float32)
    reg_sum = jnp.zeros((), jnp.float32)
    for h in range(_NH):
        g_h, ur_h = _sc_gather(
            item_embedding,
            lax.slice_in_dim(items2d, h * nrow, (h + 1) * nrow, axis=0),
            user_embedding,
            lax.slice_in_dim(user_i, h * _BH, (h + 1) * _BH, axis=0))
        gs, rs = _tc_losses(
            ur_h, g_h,
            lax.slice_in_dim(reward, h * _BH, (h + 1) * _BH, axis=0),
            _GUM[h * _BH:(h + 1) * _BH], _BIDX,
            uwt, ubr, imlp_w, ibr, ibc)
        gan_sum = gan_sum + gs[0, 0]
        reg_sum = reg_sum + rs[0, 0]

    gan_loss = -(gan_sum / jnp.float32(_B))
    reg_loss = jnp.float32(_REGS * 0.5) * reg_sum
    return (gan_loss, reg_loss)

# --- scband reference (transcript-rebuilt; emitter-appended) ---
"""Pipeline reference for scband-generator-30253749633285 (READ-ONLY COPY).

The authoritative reference and input builder live on the scoring server;
editing this copy changes nothing except your own understanding.
"""

import jax, jax.numpy as jnp
import numpy as np

N_USER = 100000
N_ITEM = 100000
D = 64
B = 4096
L = 200
REGS = 1e-05


def setup_inputs(seed: int = 0) -> dict:
    key = jax.random.key(seed)
    ks = jax.random.split(key, 8)
    user = jax.random.randint(ks[0], (B,), 0, N_USER, dtype=jnp.int64 if jax.config.jax_enable_x64 else jnp.int32)
    items = jax.random.randint(ks[1], (B, L), 0, N_ITEM, dtype=jnp.int64 if jax.config.jax_enable_x64 else jnp.int32)
    reward = jax.random.uniform(ks[2], (B, L), dtype=jnp.float32)
    # xavier_uniform for embedding tables
    lim_u = float(np.sqrt(6.0 / (N_USER + D)))
    lim_i = float(np.sqrt(6.0 / (N_ITEM + D)))
    user_embedding = jax.random.uniform(ks[3], (N_USER, D), jnp.float32, -lim_u, lim_u)
    item_embedding = jax.random.uniform(ks[4], (N_ITEM, D), jnp.float32, -lim_i, lim_i)
    # nn.Linear default init: uniform(-1/sqrt(fan_in), 1/sqrt(fan_in))
    lim_w = float(1.0 / np.sqrt(D))
    umlp_w = jax.random.uniform(ks[5], (D, D), jnp.float32, -lim_w, lim_w)
    umlp_b = jax.random.uniform(ks[6], (D,), jnp.float32, -lim_w, lim_w)
    imlp_w = jax.random.uniform(ks[7], (D, D), jnp.float32, -lim_w, lim_w)
    imlp_b = jax.random.uniform(jax.random.fold_in(key, 99), (D,), jnp.float32, -lim_w, lim_w)
    return {
        "user": user,
        "items": items,
        "reward": reward,
        "user_embedding": user_embedding,
        "item_embedding": item_embedding,
        "umlp_w": umlp_w,
        "umlp_b": umlp_b,
        "imlp_w": imlp_w,
        "imlp_b": imlp_b,
    }


def reference(user, items, reward, user_embedding, item_embedding, umlp_w, umlp_b, imlp_w, imlp_b):
    # u_e = umlp(user_embedding[user])  -> [B, D]
    u_e = jnp.take(user_embedding, user, axis=0) @ umlp_w.T + umlp_b
    # i_e = imlp(item_embedding[items]) -> [B, L, D]
    i_e = jnp.take(item_embedding, items, axis=0) @ imlp_w.T + imlp_b
    u_e3 = u_e[:, None, :]
    # euclidean distance over feature dim -> [B, L]
    distance = jnp.sqrt(jnp.sum((u_e3 - i_e) ** 2, axis=-1) + 1e-12)
    probs = jax.nn.softmax(distance, axis=1)
    # torch.multinomial(probs, 1) == categorical sampling from probs
    sampled_id = jax.random.categorical(jax.random.key(123), jnp.log(probs + 1e-12), axis=1)  # [B]
    row_ids = jnp.arange(distance.shape[0])
    log_probs = jax.nn.log_softmax(distance, axis=-1)
    sampled_probs = log_probs[row_ids, sampled_id]  # [B]
    sampled_reward = reward[row_ids, sampled_id]  # [B]
    gan_loss = -jnp.mean(sampled_probs * sampled_reward)
    reg_loss = REGS * 0.5 * (jnp.sum(u_e3 ** 2) + jnp.sum(i_e ** 2))
    return (gan_loss, reg_loss)

if __name__ == "__main__":
    import jax
    _d = setup_inputs()
    print(jax.jit(kernel)(*tuple(_d.values())))

</pallas_src>

<mosaic_0001>
#map = affine_map<(d0, d1) -> (0, 0)>
#map1 = affine_map<(d0, d1) -> (0)>
module attributes {stable_mosaic.version = 14 : i64} {
  func.func @k(%arg0: i32, %arg1: i32, %arg2: memref<100000x64xf32, #tpu.memory_space<hbm>>, %arg3: memref<3200x128xi32, #tpu.memory_space<hbm>>, %arg4: memref<100000x64xf32, #tpu.memory_space<hbm>>, %arg5: memref<2048xi32, #tpu.memory_space<hbm>>, %arg6: memref<204800x128xf32, #tpu.memory_space<hbm>>, %arg7: memref<1024x128xf32, #tpu.memory_space<hbm>>, %arg8: memref<5x128xi32, #tpu.memory_space<vmem>>, %arg9: memref<640x64xf32, #tpu.memory_space<vmem>>, %arg10: memref<64xi32, #tpu.memory_space<vmem>>, %arg11: memref<64x64xf32, #tpu.memory_space<vmem>>, %arg12: memref<!tpu.dma_semaphore, #tpu.memory_space<semaphore_mem>>, %arg13: memref<!tpu.dma_semaphore, #tpu.memory_space<semaphore_mem>>) attributes {dimension_semantics = [#tpu.dimension_semantics<core_parallel>, #tpu.dimension_semantics<subcore_parallel>], iteration_bounds = array<i64: 2, 16>, scalar_prefetch = 0 : i64, scratch_operands = 6 : i64, tpu.core_type = #tpu.core_type<sc_vector_subcore>, window_params = [{transform_indices = #map}, {transform_indices = #map}, {transform_indices = #map}, {transform_indices = #map1}, {transform_indices = #map}, {transform_indices = #map}]} {
    %mul3A = arith.constant 2 : i32
    %mul3A_0 = arith.muli %arg1, %mul3A : i32
    %add3A = arith.addi %mul3A_0, %arg0 : i32
    %mul3A_1 = arith.constant 64 : i32
    %mul3A_2 = arith.muli %add3A, %mul3A_1 : i32
    "tpu.region"() ({
      %run_scoped3A = tpu.sem_alloc : memref<!tpu.dma_semaphore, #tpu.memory_space<semaphore_mem>>
      %dma_start3A_34 = tpu.memref_slice %arg5[%mul3A_2] : memref<2048xi32, #tpu.memory_space<hbm>> -> memref<64xi32, #tpu.memory_space<hbm>>
      %dma_start3A_35 = tpu.memref_slice %arg5[%mul3A_2] : memref<2048xi32, #tpu.memory_space<hbm>> -> memref<64xi32, #tpu.memory_space<hbm>>
      tpu.enqueue_dma source(%dma_start3A_35 : memref<64xi32, #tpu.memory_space<hbm>>) target(%arg10 : memref<64xi32, #tpu.memory_space<vmem>>) target_semaphore(%run_scoped3A : memref<!tpu.dma_semaphore, #tpu.memory_space<semaphore_mem>>)
      %dma_wait3A_36 = tpu.memref_slice %arg5[%mul3A_2] : memref<2048xi32, #tpu.memory_space<hbm>> -> memref<64xi32, #tpu.memory_space<hbm>>
      %dma_wait3A_37 = tpu.memref_slice %arg5[%mul3A_2] : memref<2048xi32, #tpu.memory_space<hbm>> -> memref<64xi32, #tpu.memory_space<hbm>>
      tpu.wait_dma2 semaphore(%run_scoped3A : memref<!tpu.dma_semaphore, #tpu.memory_space<semaphore_mem>>) src(%dma_wait3A_37 : memref<64xi32, #tpu.memory_space<hbm>>) dst(%arg10 : memref<64xi32, #tpu.memory_space<vmem>>)
      tpu.yield
    }) : () -> ()
    %dma_start3A = arith.constant 0 : i32
    %dma_start3A_3 = arith.constant 0 : i32
    %dma_start3A_4 = tpu.memref_slice %arg4[%dma_start3A, %dma_start3A_3] : memref<100000x64xf32, #tpu.memory_space<hbm>> -> memref<100000x64xf32, #tpu.memory_space<hbm>>
    tpu.enqueue_indirect_dma source(%dma_start3A_4 : memref<100000x64xf32, #tpu.memory_space<hbm>>) target(%arg11 : memref<64x64xf32, #tpu.memory_space<vmem>>) offsets(%arg10 : memref<64xi32, #tpu.memory_space<vmem>>) semaphore(%arg13 : memref<!tpu.dma_semaphore, #tpu.memory_space<semaphore_mem>>)
    %dma_wait3A = arith.constant 0 : i32
    %dma_wait3A_5 = arith.constant 0 : i32
    %dma_wait3A_6 = tpu.memref_slice %arg4[%dma_wait3A, %dma_wait3A_5] : memref<100000x64xf32, #tpu.memory_space<hbm>> -> memref<100000x64xf32, #tpu.memory_space<hbm>>
    tpu.wait_indirect_dma semaphore(%arg13 : memref<!tpu.dma_semaphore, #tpu.memory_space<semaphore_mem>>) src(%dma_wait3A_6 : memref<100000x64xf32, #tpu.memory_space<hbm>>) dst(%arg11 : memref<64x64xf32, #tpu.memory_space<vmem>>)
    %mul3A_7 = arith.constant 32 : i32
    %mul3A_8 = arith.muli %add3A, %mul3A_7 : i32
    "tpu.region"() ({
      %run_scoped3A = tpu.sem_alloc : memref<!tpu.dma_semaphore, #tpu.memory_space<semaphore_mem>>
      %dma_start3A_34 = arith.constant 0 : i32
      %dma_start3A_35 = arith.constant 0 : i32
      %dma_start3A_36 = tpu.memref_slice %arg11[%dma_start3A_34, %dma_start3A_35] : memref<64x64xf32, #tpu.memory_space<vmem>> -> memref<32x64xf32, #tpu.memory_space<vmem>>
      %dma_start3A_37 = arith.constant 0 : i32
      %dma_start3A_38 = tpu.memref_slice %arg7[%mul3A_8, %dma_start3A_37] : memref<1024x128xf32, #tpu.memory_space<hbm>> -> memref<32x64xf32, #tpu.memory_space<hbm>>
      %dma_start3A_39 = arith.constant 0 : i32
      %dma_start3A_40 = tpu.memref_slice %arg7[%mul3A_8, %dma_start3A_39] : memref<1024x128xf32, #tpu.memory_space<hbm>> -> memref<32x64xf32, #tpu.memory_space<hbm>>
      %dma_start3A_41 = arith.constant 0 : i32
      %dma_start3A_42 = arith.constant 0 : i32
      %dma_start3A_43 = tpu.memref_slice %arg11[%dma_start3A_41, %dma_start3A_42] : memref<64x64xf32, #tpu.memory_space<vmem>> -> memref<32x64xf32, #tpu.memory_space<vmem>>
      tpu.enqueue_dma source(%dma_start3A_43 : memref<32x64xf32, #tpu.memory_space<vmem>>) target(%dma_start3A_40 : memref<32x64xf32, #tpu.memory_space<hbm>>) target_semaphore(%run_scoped3A : memref<!tpu.dma_semaphore, #tpu.memory_space<semaphore_mem>>)
      %dma_wait3A_44 = arith.constant 0 : i32
      %dma_wait3A_45 = arith.constant 0 : i32
      %dma_wait3A_46 = tpu.memref_slice %arg11[%dma_wait3A_44, %dma_wait3A_45] : memref<64x64xf32, #tpu.memory_space<vmem>> -> memref<32x64xf32, #tpu.memory_space<vmem>>
      %dma_wait3A_47 = arith.constant 0 : i32
      %dma_wait3A_48 = tpu.memref_slice %arg7[%mul3A_8, %dma_wait3A_47] : memref<1024x128xf32, #tpu.memory_space<hbm>> -> memref<32x64xf32, #tpu.memory_space<hbm>>
      %dma_wait3A_49 = arith.constant 0 : i32
      %dma_wait3A_50 = tpu.memref_slice %arg7[%mul3A_8, %dma_wait3A_49] : memref<1024x128xf32, #tpu.memory_space<hbm>> -> memref<32x64xf32, #tpu.memory_space<hbm>>
      %dma_wait3A_51 = arith.constant 0 : i32
      %dma_wait3A_52 = arith.constant 0 : i32
      %dma_wait3A_53 = tpu.memref_slice %arg11[%dma_wait3A_51, %dma_wait3A_52] : memref<64x64xf32, #tpu.memory_space<vmem>> -> memref<32x64xf32, #tpu.memory_space<vmem>>
      tpu.wait_dma2 semaphore(%run_scoped3A : memref<!tpu.dma_semaphore, #tpu.memory_space<semaphore_mem>>) src(%dma_wait3A_53 : memref<32x64xf32, #tpu.memory_space<vmem>>) dst(%dma_wait3A_50 : memref<32x64xf32, #tpu.memory_space<hbm>>)
      tpu.yield
    }) : () -> ()
    %mul3A_9 = arith.constant 32 : i32
    %mul3A_10 = arith.muli %add3A, %mul3A_9 : i32
    "tpu.region"() ({
      %run_scoped3A = tpu.sem_alloc : memref<!tpu.dma_semaphore, #tpu.memory_space<semaphore_mem>>
      %dma_start3A_34 = arith.constant 32 : i32
      %dma_start3A_35 = arith.constant 0 : i32
      %dma_start3A_36 = tpu.memref_slice %arg11[%dma_start3A_34, %dma_start3A_35] : memref<64x64xf32, #tpu.memory_space<vmem>> -> memref<32x64xf32, #tpu.memory_space<vmem>>
      %dma_start3A_37 = arith.constant 64 : i32
      %dma_start3A_38 = tpu.memref_slice %arg7[%mul3A_10, %dma_start3A_37] : memref<1024x128xf32, #tpu.memory_space<hbm>> -> memref<32x64xf32, #tpu.memory_space<hbm>>
      %dma_start3A_39 = arith.constant 64 : i32
      %dma_start3A_40 = tpu.memref_slice %arg7[%mul3A_10, %dma_start3A_39] : memref<1024x128xf32, #tpu.memory_space<hbm>> -> memref<32x64xf32, #tpu.memory_space<hbm>>
      %dma_start3A_41 = arith.constant 32 : i32
      %dma_start3A_42 = arith.constant 0 : i32
      %dma_start3A_43 = tpu.memref_slice %arg11[%dma_start3A_41, %dma_start3A_42] : memref<64x64xf32, #tpu.memory_space<vmem>> -> memref<32x64xf32, #tpu.memory_space<vmem>>
      tpu.enqueue_dma source(%dma_start3A_43 : memref<32x64xf32, #tpu.memory_space<vmem>>) target(%dma_start3A_40 : memref<32x64xf32, #tpu.memory_space<hbm>>) target_semaphore(%run_scoped3A : memref<!tpu.dma_semaphore, #tpu.memory_space<semaphore_mem>>)
      %dma_wait3A_44 = arith.constant 32 : i32
      %dma_wait3A_45 = arith.constant 0 : i32
      %dma_wait3A_46 = tpu.memref_slice %arg11[%dma_wait3A_44, %dma_wait3A_45] : memref<64x64xf32, #tpu.memory_space<vmem>> -> memref<32x64xf32, #tpu.memory_space<vmem>>
      %dma_wait3A_47 = arith.constant 64 : i32
      %dma_wait3A_48 = tpu.memref_slice %arg7[%mul3A_10, %dma_wait3A_47] : memref<1024x128xf32, #tpu.memory_space<hbm>> -> memref<32x64xf32, #tpu.memory_space<hbm>>
      %dma_wait3A_49 = arith.constant 64 : i32
      %dma_wait3A_50 = tpu.memref_slice %arg7[%mul3A_10, %dma_wait3A_49] : memref<1024x128xf32, #tpu.memory_space<hbm>> -> memref<32x64xf32, #tpu.memory_space<hbm>>
      %dma_wait3A_51 = arith.constant 32 : i32
      %dma_wait3A_52 = arith.constant 0 : i32
      %dma_wait3A_53 = tpu.memref_slice %arg11[%dma_wait3A_51, %dma_wait3A_52] : memref<64x64xf32, #tpu.memory_space<vmem>> -> memref<32x64xf32, #tpu.memory_space<vmem>>
      tpu.wait_dma2 semaphore(%run_scoped3A : memref<!tpu.dma_semaphore, #tpu.memory_space<semaphore_mem>>) src(%dma_wait3A_53 : memref<32x64xf32, #tpu.memory_space<vmem>>) dst(%dma_wait3A_50 : memref<32x64xf32, #tpu.memory_space<hbm>>)
      tpu.yield
    }) : () -> ()
    %mul3A_11 = arith.constant 6400 : i32
    %mul3A_12 = arith.muli %add3A, %mul3A_11 : i32
    %mul3A_13 = arith.constant 100 : i32
    %mul3A_14 = arith.muli %add3A, %mul3A_13 : i32
    %add3A_15 = arith.constant 0 : i32
    %add3A_16 = arith.addi %mul3A_14, %add3A_15 : i32
    %scan3A = arith.constant 0 : i32
    %scan3A_17 = arith.constant 0 : i32
    %scan3A_18 = arith.constant 10 : i32
    %scan3A_19 = arith.addi %scan3A_17, %scan3A_18 : i32
    %scan3A_20 = arith.constant 1 : i32
    scf.for %scan3A_34 = %scan3A_17 to %scan3A_19 step %scan3A_20  : i32 {
      %mul3A_35 = arith.constant 5 : i32
      %mul3A_36 = arith.muli %scan3A_34, %mul3A_35 : i32
      %add3A_37 = arith.addi %add3A_16, %mul3A_36 : i32
      "tpu.region"() ({
        %run_scoped3A = tpu.sem_alloc : memref<!tpu.dma_semaphore, #tpu.memory_space<semaphore_mem>>
        %dma_start3A_141 = arith.constant 0 : i32
        %dma_start3A_142 = tpu.memref_slice %arg3[%add3A_37, %dma_start3A_141] : memref<3200x128xi32, #tpu.memory_space<hbm>> -> memref<5x128xi32, #tpu.memory_space<hbm>>
        %dma_start3A_143 = arith.constant 0 : i32
        %dma_start3A_144 = tpu.memref_slice %arg3[%add3A_37, %dma_start3A_143] : memref<3200x128xi32, #tpu.memory_space<hbm>> -> memref<5x128xi32, #tpu.memory_space<hbm>>
        tpu.enqueue_dma source(%dma_start3A_144 : memref<5x128xi32, #tpu.memory_space<hbm>>) target(%arg8 : memref<5x128xi32, #tpu.memory_space<vmem>>) target_semaphore(%run_scoped3A : memref<!tpu.dma_semaphore, #tpu.memory_space<semaphore_mem>>)
        %dma_wait3A_145 = arith.constant 0 : i32
        %dma_wait3A_146 = tpu.memref_slice %arg3[%add3A_37, %dma_wait3A_145] : memref<3200x128xi32, #tpu.memory_space<hbm>> -> memref<5x128xi32, #tpu.memory_space<hbm>>
        %dma_wait3A_147 = arith.constant 0 : i32
        %dma_wait3A_148 = tpu.memref_slice %arg3[%add3A_37, %dma_wait3A_147] : memref<3200x128xi32, #tpu.memory_space<hbm>> -> memref<5x128xi32, #tpu.memory_space<hbm>>
        tpu.wait_dma2 semaphore(%run_scoped3A : memref<!tpu.dma_semaphore, #tpu.memory_space<semaphore_mem>>) src(%dma_wait3A_148 : memref<5x128xi32, #tpu.memory_space<hbm>>) dst(%arg8 : memref<5x128xi32, #tpu.memory_space<vmem>>)
        tpu.yield
      }) : () -> ()
      %dma_start3A_38 = arith.constant 0 : i32
      %dma_start3A_39 = arith.constant 0 : i32
      %dma_start3A_40 = arith.constant 0 : i32
      %dma_start3A_41 = tpu.memref_slice %arg9[%dma_start3A_39, %dma_start3A_40] : memref<640x64xf32, #tpu.memory_space<vmem>> -> memref<128x64xf32, #tpu.memory_space<vmem>>
      %dma_start3A_42 = arith.constant 0 : i32
      %dma_start3A_43 = tpu.memref_slice %arg8[%dma_start3A_38, %dma_start3A_42] : memref<5x128xi32, #tpu.memory_space<vmem>> -> memref<1x128xi32, #tpu.memory_space<vmem>>
      %dma_start3A_44 = tpu.memref_squeeze %dma_start3A_43 : memref<1x128xi32, #tpu.memory_space<vmem>> -> memref<128xi32, #tpu.memory_space<vmem>>
      %dma_start3A_45 = arith.constant 0 : i32
      %dma_start3A_46 = arith.constant 0 : i32
      %dma_start3A_47 = tpu.memref_slice %arg2[%dma_start3A_45, %dma_start3A_46] : memref<100000x64xf32, #tpu.memory_space<hbm>> -> memref<100000x64xf32, #tpu.memory_space<hbm>>
      tpu.enqueue_indirect_dma source(%dma_start3A_47 : memref<100000x64xf32, #tpu.memory_space<hbm>>) target(%dma_start3A_41 : memref<128x64xf32, #tpu.memory_space<vmem>>) offsets(%dma_start3A_44 : memref<128xi32, #tpu.memory_space<vmem>>) semaphore(%arg12 : memref<!tpu.dma_semaphore, #tpu.memory_space<semaphore_mem>>)
      %dma_start3A_48 = arith.constant 1 : i32
      %dma_start3A_49 = arith.constant 128 : i32
      %dma_start3A_50 = arith.constant 0 : i32
      %dma_start3A_51 = tpu.memref_slice %arg9[%dma_start3A_49, %dma_start3A_50] : memref<640x64xf32, #tpu.memory_space<vmem>> -> memref<128x64xf32, #tpu.memory_space<vmem>>
      %dma_start3A_52 = arith.constant 0 : i32
      %dma_start3A_53 = tpu.memref_slice %arg8[%dma_start3A_48, %dma_start3A_52] : memref<5x128xi32, #tpu.memory_space<vmem>> -> memref<1x128xi32, #tpu.memory_space<vmem>>
      %dma_start3A_54 = tpu.memref_squeeze %dma_start3A_53 : memref<1x128xi32, #tpu.memory_space<vmem>> -> memref<128xi32, #tpu.memory_space<vmem>>
      %dma_start3A_55 = arith.constant 0 : i32
      %dma_start3A_56 = arith.constant 0 : i32
      %dma_start3A_57 = tpu.memref_slice %arg2[%dma_start3A_55, %dma_start3A_56] : memref<100000x64xf32, #tpu.memory_space<hbm>> -> memref<100000x64xf32, #tpu.memory_space<hbm>>
      tpu.enqueue_indirect_dma source(%dma_start3A_57 : memref<100000x64xf32, #tpu.memory_space<hbm>>) target(%dma_start3A_51 : memref<128x64xf32, #tpu.memory_space<vmem>>) offsets(%dma_start3A_54 : memref<128xi32, #tpu.memory_space<vmem>>) semaphore(%arg12 : memref<!tpu.dma_semaphore, #tpu.memory_space<semaphore_mem>>)
      %dma_start3A_58 = arith.constant 2 : i32
      %dma_start3A_59 = arith.constant 256 : i32
      %dma_start3A_60 = arith.constant 0 : i32
      %dma_start3A_61 = tpu.memref_slice %arg9[%dma_start3A_59, %dma_start3A_60] : memref<640x64xf32, #tpu.memory_space<vmem>> -> memref<128x64xf32, #tpu.memory_space<vmem>>
      %dma_start3A_62 = arith.constant 0 : i32
      %dma_start3A_63 = tpu.memref_slice %arg8[%dma_start3A_58, %dma_start3A_62] : memref<5x128xi32, #tpu.memory_space<vmem>> -> memref<1x128xi32, #tpu.memory_space<vmem>>
      %dma_start3A_64 = tpu.memref_squeeze %dma_start3A_63 : memref<1x128xi32, #tpu.memory_space<vmem>> -> memref<128xi32, #tpu.memory_space<vmem>>
      %dma_start3A_65 = arith.constant 0 : i32
      %dma_start3A_66 = arith.constant 0 : i32
      %dma_start3A_67 = tpu.memref_slice %arg2[%dma_start3A_65, %dma_start3A_66] : memref<100000x64xf32, #tpu.memory_space<hbm>> -> memref<100000x64xf32, #tpu.memory_space<hbm>>
      tpu.enqueue_indirect_dma source(%dma_start3A_67 : memref<100000x64xf32, #tpu.memory_space<hbm>>) target(%dma_start3A_61 : memref<128x64xf32, #tpu.memory_space<vmem>>) offsets(%dma_start3A_64 : memref<128xi32, #tpu.memory_space<vmem>>) semaphore(%arg12 : memref<!tpu.dma_semaphore, #tpu.memory_space<semaphore_mem>>)
      %dma_start3A_68 = arith.constant 3 : i32
      %dma_start3A_69 = arith.constant 384 : i32
      %dma_start3A_70 = arith.constant 0 : i32
      %dma_start3A_71 = tpu.memref_slice %arg9[%dma_start3A_69, %dma_start3A_70] : memref<640x64xf32, #tpu.memory_space<vmem>> -> memref<128x64xf32, #tpu.memory_space<vmem>>
      %dma_start3A_72 = arith.constant 0 : i32
      %dma_start3A_73 = tpu.memref_slice %arg8[%dma_start3A_68, %dma_start3A_72] : memref<5x128xi32, #tpu.memory_space<vmem>> -> memref<1x128xi32, #tpu.memory_space<vmem>>
      %dma_start3A_74 = tpu.memref_squeeze %dma_start3A_73 : memref<1x128xi32, #tpu.memory_space<vmem>> -> memref<128xi32, #tpu.memory_space<vmem>>
      %dma_start3A_75 = arith.constant 0 : i32
      %dma_start3A_76 = arith.constant 0 : i32
      %dma_start3A_77 = tpu.memref_slice %arg2[%dma_start3A_75, %dma_start3A_76] : memref<100000x64xf32, #tpu.memory_space<hbm>> -> memref<100000x64xf32, #tpu.memory_space<hbm>>
      tpu.enqueue_indirect_dma source(%dma_start3A_77 : memref<100000x64xf32, #tpu.memory_space<hbm>>) target(%dma_start3A_71 : memref<128x64xf32, #tpu.memory_space<vmem>>) offsets(%dma_start3A_74 : memref<128xi32, #tpu.memory_space<vmem>>) semaphore(%arg12 : memref<!tpu.dma_semaphore, #tpu.memory_space<semaphore_mem>>)
      %dma_start3A_78 = arith.constant 4 : i32
      %dma_start3A_79 = arith.constant 512 : i32
      %dma_start3A_80 = arith.constant 0 : i32
      %dma_start3A_81 = tpu.memref_slice %arg9[%dma_start3A_79, %dma_start3A_80] : memref<640x64xf32, #tpu.memory_space<vmem>> -> memref<128x64xf32, #tpu.memory_space<vmem>>
      %dma_start3A_82 = arith.constant 0 : i32
      %dma_start3A_83 = tpu.memref_slice %arg8[%dma_start3A_78, %dma_start3A_82] : memref<5x128xi32, #tpu.memory_space<vmem>> -> memref<1x128xi32, #tpu.memory_space<vmem>>
      %dma_start3A_84 = tpu.memref_squeeze %dma_start3A_83 : memref<1x128xi32, #tpu.memory_space<vmem>> -> memref<128xi32, #tpu.memory_space<vmem>>
      %dma_start3A_85 = arith.constant 0 : i32
      %dma_start3A_86 = arith.constant 0 : i32
      %dma_start3A_87 = tpu.memref_slice %arg2[%dma_start3A_85, %dma_start3A_86] : memref<100000x64xf32, #tpu.memory_space<hbm>> -> memref<100000x64xf32, #tpu.memory_space<hbm>>
      tpu.enqueue_indirect_dma source(%dma_start3A_87 : memref<100000x64xf32, #tpu.memory_space<hbm>>) target(%dma_start3A_81 : memref<128x64xf32, #tpu.memory_space<vmem>>) offsets(%dma_start3A_84 : memref<128xi32, #tpu.memory_space<vmem>>) semaphore(%arg12 : memref<!tpu.dma_semaphore, #tpu.memory_space<semaphore_mem>>)
      %dma_wait3A_88 = arith.constant 0 : i32
      %dma_wait3A_89 = arith.constant 0 : i32
      %dma_wait3A_90 = arith.constant 0 : i32
      %dma_wait3A_91 = tpu.memref_slice %arg9[%dma_wait3A_89, %dma_wait3A_90] : memref<640x64xf32, #tpu.memory_space<vmem>> -> memref<128x64xf32, #tpu.memory_space<vmem>>
      %dma_wait3A_92 = arith.constant 0 : i32
      %dma_wait3A_93 = tpu.memref_slice %arg8[%dma_wait3A_88, %dma_wait3A_92] : memref<5x128xi32, #tpu.memory_space<vmem>> -> memref<1x128xi32, #tpu.memory_space<vmem>>
      %dma_wait3A_94 = tpu.memref_squeeze %dma_wait3A_93 : memref<1x128xi32, #tpu.memory_space<vmem>> -> memref<128xi32, #tpu.memory_space<vmem>>
      %dma_wait3A_95 = arith.constant 0 : i32
      %dma_wait3A_96 = arith.constant 0 : i32
      %dma_wait3A_97 = tpu.memref_slice %arg2[%dma_wait3A_95, %dma_wait3A_96] : memref<100000x64xf32, #tpu.memory_space<hbm>> -> memref<100000x64xf32, #tpu.memory_space<hbm>>
      tpu.wait_indirect_dma semaphore(%arg12 : memref<!tpu.dma_semaphore, #tpu.memory_space<semaphore_mem>>) src(%dma_wait3A_97 : memref<100000x64xf32, #tpu.memory_space<hbm>>) dst(%dma_wait3A_91 : memref<128x64xf32, #tpu.memory_space<vmem>>)
      %dma_wait3A_98 = arith.constant 1 : i32
      %dma_wait3A_99 = arith.constant 128 : i32
      %dma_wait3A_100 = arith.constant 0 : i32
      %dma_wait3A_101 = tpu.memref_slice %arg9[%dma_wait3A_99, %dma_wait3A_100] : memref<640x64xf32, #tpu.memory_space<vmem>> -> memref<128x64xf32, #tpu.memory_space<vmem>>
      %dma_wait3A_102 = arith.constant 0 : i32
      %dma_wait3A_103 = tpu.memref_slice %arg8[%dma_wait3A_98, %dma_wait3A_102] : memref<5x128xi32, #tpu.memory_space<vmem>> -> memref<1x128xi32, #tpu.memory_space<vmem>>
      %dma_wait3A_104 = tpu.memref_squeeze %dma_wait3A_103 : memref<1x128xi32, #tpu.memory_space<vmem>> -> memref<128xi32, #tpu.memory_space<vmem>>
      %dma_wait3A_105 = arith.constant 0 : i32
      %dma_wait3A_106 = arith.constant 0 : i32
      %dma_wait3A_107 = tpu.memref_slice %arg2[%dma_wait3A_105, %dma_wait3A_106] : memref<100000x64xf32, #tpu.memory_space<hbm>> -> memref<100000x64xf32, #tpu.memory_space<hbm>>
      tpu.wait_indirect_dma semaphore(%arg12 : memref<!tpu.dma_semaphore, #tpu.memory_space<semaphore_mem>>) src(%dma_wait3A_107 : memref<100000x64xf32, #tpu.memory_space<hbm>>) dst(%dma_wait3A_101 : memref<128x64xf32, #tpu.memory_space<vmem>>)
      %dma_wait3A_108 = arith.constant 2 : i32
      %dma_wait3A_109 = arith.constant 256 : i32
      %dma_wait3A_110 = arith.constant 0 : i32
      %dma_wait3A_111 = tpu.memref_slice %arg9[%dma_wait3A_109, %dma_wait3A_110] : memref<640x64xf32, #tpu.memory_space<vmem>> -> memref<128x64xf32, #tpu.memory_space<vmem>>
      %dma_wait3A_112 = arith.constant 0 : i32
      %dma_wait3A_113 = tpu.memref_slice %arg8[%dma_wait3A_108, %dma_wait3A_112] : memref<5x128xi32, #tpu.memory_space<vmem>> -> memref<1x128xi32, #tpu.memory_space<vmem>>
      %dma_wait3A_114 = tpu.memref_squeeze %dma_wait3A_113 : memref<1x128xi32, #tpu.memory_space<vmem>> -> memref<128xi32, #tpu.memory_space<vmem>>
      %dma_wait3A_115 = arith.constant 0 : i32
      %dma_wait3A_116 = arith.constant 0 : i32
      %dma_wait3A_117 = tpu.memref_slice %arg2[%dma_wait3A_115, %dma_wait3A_116] : memref<100000x64xf32, #tpu.memory_space<hbm>> -> memref<100000x64xf32, #tpu.memory_space<hbm>>
      tpu.wait_indirect_dma semaphore(%arg12 : memref<!tpu.dma_semaphore, #tpu.memory_space<semaphore_mem>>) src(%dma_wait3A_117 : memref<100000x64xf32, #tpu.memory_space<hbm>>) dst(%dma_wait3A_111 : memref<128x64xf32, #tpu.memory_space<vmem>>)
      %dma_wait3A_118 = arith.constant 3 : i32
      %dma_wait3A_119 = arith.constant 384 : i32
      %dma_wait3A_120 = arith.constant 0 : i32
      %dma_wait3A_121 = tpu.memref_slice %arg9[%dma_wait3A_119, %dma_wait3A_120] : memref<640x64xf32, #tpu.memory_space<vmem>> -> memref<128x64xf32, #tpu.memory_space<vmem>>
      %dma_wait3A_122 = arith.constant 0 : i32
      %dma_wait3A_123 = tpu.memref_slice %arg8[%dma_wait3A_118, %dma_wait3A_122] : memref<5x128xi32, #tpu.memory_space<vmem>> -> memref<1x128xi32, #tpu.memory_space<vmem>>
      %dma_wait3A_124 = tpu.memref_squeeze %dma_wait3A_123 : memref<1x128xi32, #tpu.memory_space<vmem>> -> memref<128xi32, #tpu.memory_space<vmem>>
      %dma_wait3A_125 = arith.constant 0 : i32
      %dma_wait3A_126 = arith.constant 0 : i32
      %dma_wait3A_127 = tpu.memref_slice %arg2[%dma_wait3A_125, %dma_wait3A_126] : memref<100000x64xf32, #tpu.memory_space<hbm>> -> memref<100000x64xf32, #tpu.memory_space<hbm>>
      tpu.wait_indirect_dma semaphore(%arg12 : memref<!tpu.dma_semaphore, #tpu.memory_space<semaphore_mem>>) src(%dma_wait3A_127 : memref<100000x64xf32, #tpu.memory_space<hbm>>) dst(%dma_wait3A_121 : memref<128x64xf32, #tpu.memory_space<vmem>>)
      %dma_wait3A_128 = arith.constant 4 : i32
      %dma_wait3A_129 = arith.constant 512 : i32
      %dma_wait3A_130 = arith.constant 0 : i32
      %dma_wait3A_131 = tpu.memref_slice %arg9[%dma_wait3A_129, %dma_wait3A_130] : memref<640x64xf32, #tpu.memory_space<vmem>> -> memref<128x64xf32, #tpu.memory_space<vmem>>
      %dma_wait3A_132 = arith.constant 0 : i32
      %dma_wait3A_133 = tpu.memref_slice %arg8[%dma_wait3A_128, %dma_wait3A_132] : memref<5x128xi32, #tpu.memory_space<vmem>> -> memref<1x128xi32, #tpu.memory_space<vmem>>
      %dma_wait3A_134 = tpu.memref_squeeze %dma_wait3A_133 : memref<1x128xi32, #tpu.memory_space<vmem>> -> memref<128xi32, #tpu.memory_space<vmem>>
      %dma_wait3A_135 = arith.constant 0 : i32
      %dma_wait3A_136 = arith.constant 0 : i32
      %dma_wait3A_137 = tpu.memref_slice %arg2[%dma_wait3A_135, %dma_wait3A_136] : memref<100000x64xf32, #tpu.memory_space<hbm>> -> memref<100000x64xf32, #tpu.memory_space<hbm>>
      tpu.wait_indirect_dma semaphore(%arg12 : memref<!tpu.dma_semaphore, #tpu.memory_space<semaphore_mem>>) src(%dma_wait3A_137 : memref<100000x64xf32, #tpu.memory_space<hbm>>) dst(%dma_wait3A_131 : memref<128x64xf32, #tpu.memory_space<vmem>>)
      %mul3A_138 = arith.constant 640 : i32
      %mul3A_139 = arith.muli %scan3A_34, %mul3A_138 : i32
      %add3A_140 = arith.addi %mul3A_12, %mul3A_139 : i32
      "tpu.region"() ({
        %run_scoped3A = tpu.sem_alloc : memref<!tpu.dma_semaphore, #tpu.memory_space<semaphore_mem>>
        %dma_start3A_141 = arith.constant 0 : i32
        %dma_start3A_142 = tpu.memref_slice %arg6[%add3A_140, %dma_start3A_141] : memref<204800x128xf32, #tpu.memory_space<hbm>> -> memref<640x64xf32, #tpu.memory_space<hbm>>
        %dma_start3A_143 = arith.constant 0 : i32
        %dma_start3A_144 = tpu.memref_slice %arg6[%add3A_140, %dma_start3A_143] : memref<204800x128xf32, #tpu.memory_space<hbm>> -> memref<640x64xf32, #tpu.memory_space<hbm>>
        tpu.enqueue_dma source(%arg9 : memref<640x64xf32, #tpu.memory_space<vmem>>) target(%dma_start3A_144 : memref<640x64xf32, #tpu.memory_space<hbm>>) target_semaphore(%run_scoped3A : memref<!tpu.dma_semaphore, #tpu.memory_space<semaphore_mem>>)
        %dma_wait3A_145 = arith.constant 0 : i32
        %dma_wait3A_146 = tpu.memref_slice %arg6[%add3A_140, %dma_wait3A_145] : memref<204800x128xf32, #tpu.memory_space<hbm>> -> memref<640x64xf32, #tpu.memory_space<hbm>>
        %dma_wait3A_147 = arith.constant 0 : i32
        %dma_wait3A_148 = tpu.memref_slice %arg6[%add3A_140, %dma_wait3A_147] : memref<204800x128xf32, #tpu.memory_space<hbm>> -> memref<640x64xf32, #tpu.memory_space<hbm>>
        tpu.wait_dma2 semaphore(%run_scoped3A : memref<!tpu.dma_semaphore, #tpu.memory_space<semaphore_mem>>) src(%arg9 : memref<640x64xf32, #tpu.memory_space<vmem>>) dst(%dma_wait3A_148 : memref<640x64xf32, #tpu.memory_space<hbm>>)
        tpu.yield
      }) : () -> ()
    }
    %scan3A_21 = arith.constant 10 : i32
    %mul3A_22 = arith.constant 6400 : i32
    %mul3A_23 = arith.muli %add3A, %mul3A_22 : i32
    %mul3A_24 = arith.constant 100 : i32
    %mul3A_25 = arith.muli %add3A, %mul3A_24 : i32
    %add3A_26 = arith.constant 50 : i32
    %add3A_27 = arith.addi %mul3A_25, %add3A_26 : i32
    %scan3A_28 = arith.constant 0 : i32
    %scan3A_29 = arith.constant 0 : i32
    %scan3A_30 = arith.constant 10 : i32
    %scan3A_31 = arith.addi %scan3A_29, %scan3A_30 : i32
    %scan3A_32 = arith.constant 1 : i32
    scf.for %scan3A_34 = %scan3A_29 to %scan3A_31 step %scan3A_32  : i32 {
      %mul3A_35 = arith.constant 5 : i32
      %mul3A_36 = arith.muli %scan3A_34, %mul3A_35 : i32
      %add3A_37 = arith.addi %add3A_27, %mul3A_36 : i32
      "tpu.region"() ({
        %run_scoped3A = tpu.sem_alloc : memref<!tpu.dma_semaphore, #tpu.memory_space<semaphore_mem>>
        %dma_start3A_141 = arith.constant 0 : i32
        %dma_start3A_142 = tpu.memref_slice %arg3[%add3A_37, %dma_start3A_141] : memref<3200x128xi32, #tpu.memory_space<hbm>> -> memref<5x128xi32, #tpu.memory_space<hbm>>
        %dma_start3A_143 = arith.constant 0 : i32
        %dma_start3A_144 = tpu.memref_slice %arg3[%add3A_37, %dma_start3A_143] : memref<3200x128xi32, #tpu.memory_space<hbm>> -> memref<5x128xi32, #tpu.memory_space<hbm>>
        tpu.enqueue_dma source(%dma_start3A_144 : memref<5x128xi32, #tpu.memory_space<hbm>>) target(%arg8 : memref<5x128xi32, #tpu.memory_space<vmem>>) target_semaphore(%run_scoped3A : memref<!tpu.dma_semaphore, #tpu.memory_space<semaphore_mem>>)
        %dma_wait3A_145 = arith.constant 0 : i32
        %dma_wait3A_146 = tpu.memref_slice %arg3[%add3A_37, %dma_wait3A_145] : memref<3200x128xi32, #tpu.memory_space<hbm>> -> memref<5x128xi32, #tpu.memory_space<hbm>>
        %dma_wait3A_147 = arith.constant 0 : i32
        %dma_wait3A_148 = tpu.memref_slice %arg3[%add3A_37, %dma_wait3A_147] : memref<3200x128xi32, #tpu.memory_space<hbm>> -> memref<5x128xi32, #tpu.memory_space<hbm>>
        tpu.wait_dma2 semaphore(%run_scoped3A : memref<!tpu.dma_semaphore, #tpu.memory_space<semaphore_mem>>) src(%dma_wait3A_148 : memref<5x128xi32, #tpu.memory_space<hbm>>) dst(%arg8 : memref<5x128xi32, #tpu.memory_space<vmem>>)
        tpu.yield
      }) : () -> ()
      %dma_start3A_38 = arith.constant 0 : i32
      %dma_start3A_39 = arith.constant 0 : i32
      %dma_start3A_40 = arith.constant 0 : i32
      %dma_start3A_41 = tpu.memref_slice %arg9[%dma_start3A_39, %dma_start3A_40] : memref<640x64xf32, #tpu.memory_space<vmem>> -> memref<128x64xf32, #tpu.memory_space<vmem>>
      %dma_start3A_42 = arith.constant 0 : i32
      %dma_start3A_43 = tpu.memref_slice %arg8[%dma_start3A_38, %dma_start3A_42] : memref<5x128xi32, #tpu.memory_space<vmem>> -> memref<1x128xi32, #tpu.memory_space<vmem>>
      %dma_start3A_44 = tpu.memref_squeeze %dma_start3A_43 : memref<1x128xi32, #tpu.memory_space<vmem>> -> memref<128xi32, #tpu.memory_space<vmem>>
      %dma_start3A_45 = arith.constant 0 : i32
      %dma_start3A_46 = arith.constant 0 : i32
      %dma_start3A_47 = tpu.memref_slice %arg2[%dma_start3A_45, %dma_start3A_46] : memref<100000x64xf32, #tpu.memory_space<hbm>> -> memref<100000x64xf32, #tpu.memory_space<hbm>>
      tpu.enqueue_indirect_dma source(%dma_start3A_47 : memref<100000x64xf32, #tpu.memory_space<hbm>>) target(%dma_start3A_41 : memref<128x64xf32, #tpu.memory_space<vmem>>) offsets(%dma_start3A_44 : memref<128xi32, #tpu.memory_space<vmem>>) semaphore(%arg12 : memref<!tpu.dma_semaphore, #tpu.memory_space<semaphore_mem>>)
      %dma_start3A_48 = arith.constant 1 : i32
      %dma_start3A_49 = arith.constant 128 : i32
      %dma_start3A_50 = arith.constant 0 : i32
      %dma_start3A_51 = tpu.memref_slice %arg9[%dma_start3A_49, %dma_start3A_50] : memref<640x64xf32, #tpu.memory_space<vmem>> -> memref<128x64xf32, #tpu.memory_space<vmem>>
      %dma_start3A_52 = arith.constant 0 : i32
      %dma_start3A_53 = tpu.memref_slice %arg8[%dma_start3A_48, %dma_start3A_52] : memref<5x128xi32, #tpu.memory_space<vmem>> -> memref<1x128xi32, #tpu.memory_space<vmem>>
      %dma_start3A_54 = tpu.memref_squeeze %dma_start3A_53 : memref<1x128xi32, #tpu.memory_space<vmem>> -> memref<128xi32, #tpu.memory_space<vmem>>
      %dma_start3A_55 = arith.constant 0 : i32
      %dma_start3A_56 = arith.constant 0 : i32
      %dma_start3A_57 = tpu.memref_slice %arg2[%dma_start3A_55, %dma_start3A_56] : memref<100000x64xf32, #tpu.memory_space<hbm>> -> memref<100000x64xf32, #tpu.memory_space<hbm>>
      tpu.enqueue_indirect_dma source(%dma_start3A_57 : memref<100000x64xf32, #tpu.memory_space<hbm>>) target(%dma_start3A_51 : memref<128x64xf32, #tpu.memory_space<vmem>>) offsets(%dma_start3A_54 : memref<128xi32, #tpu.memory_space<vmem>>) semaphore(%arg12 : memref<!tpu.dma_semaphore, #tpu.memory_space<semaphore_mem>>)
      %dma_start3A_58 = arith.constant 2 : i32
      %dma_start3A_59 = arith.constant 256 : i32
      %dma_start3A_60 = arith.constant 0 : i32
      %dma_start3A_61 = tpu.memref_slice %arg9[%dma_start3A_59, %dma_start3A_60] : memref<640x64xf32, #tpu.memory_space<vmem>> -> memref<128x64xf32, #tpu.memory_space<vmem>>
      %dma_start3A_62 = arith.constant 0 : i32
      %dma_start3A_63 = tpu.memref_slice %arg8[%dma_start3A_58, %dma_start3A_62] : memref<5x128xi32, #tpu.memory_space<vmem>> -> memref<1x128xi32, #tpu.memory_space<vmem>>
      %dma_start3A_64 = tpu.memref_squeeze %dma_start3A_63 : memref<1x128xi32, #tpu.memory_space<vmem>> -> memref<128xi32, #tpu.memory_space<vmem>>
      %dma_start3A_65 = arith.constant 0 : i32
      %dma_start3A_66 = arith.constant 0 : i32
      %dma_start3A_67 = tpu.memref_slice %arg2[%dma_start3A_65, %dma_start3A_66] : memref<100000x64xf32, #tpu.memory_space<hbm>> -> memref<100000x64xf32, #tpu.memory_space<hbm>>
      tpu.enqueue_indirect_dma source(%dma_start3A_67 : memref<100000x64xf32, #tpu.memory_space<hbm>>) target(%dma_start3A_61 : memref<128x64xf32, #tpu.memory_space<vmem>>) offsets(%dma_start3A_64 : memref<128xi32, #tpu.memory_space<vmem>>) semaphore(%arg12 : memref<!tpu.dma_semaphore, #tpu.memory_space<semaphore_mem>>)
      %dma_start3A_68 = arith.constant 3 : i32
      %dma_start3A_69 = arith.constant 384 : i32
      %dma_start3A_70 = arith.constant 0 : i32
      %dma_start3A_71 = tpu.memref_slice %arg9[%dma_start3A_69, %dma_start3A_70] : memref<640x64xf32, #tpu.memory_space<vmem>> -> memref<128x64xf32, #tpu.memory_space<vmem>>
      %dma_start3A_72 = arith.constant 0 : i32
      %dma_start3A_73 = tpu.memref_slice %arg8[%dma_start3A_68, %dma_start3A_72] : memref<5x128xi32, #tpu.memory_space<vmem>> -> memref<1x128xi32, #tpu.memory_space<vmem>>
      %dma_start3A_74 = tpu.memref_squeeze %dma_start3A_73 : memref<1x128xi32, #tpu.memory_space<vmem>> -> memref<128xi32, #tpu.memory_space<vmem>>
      %dma_start3A_75 = arith.constant 0 : i32
      %dma_start3A_76 = arith.constant 0 : i32
      %dma_start3A_77 = tpu.memref_slice %arg2[%dma_start3A_75, %dma_start3A_76] : memref<100000x64xf32, #tpu.memory_space<hbm>> -> memref<100000x64xf32, #tpu.memory_space<hbm>>
      tpu.enqueue_indirect_dma source(%dma_start3A_77 : memref<100000x64xf32, #tpu.memory_space<hbm>>) target(%dma_start3A_71 : memref<128x64xf32, #tpu.memory_space<vmem>>) offsets(%dma_start3A_74 : memref<128xi32, #tpu.memory_space<vmem>>) semaphore(%arg12 : memref<!tpu.dma_semaphore, #tpu.memory_space<semaphore_mem>>)
      %dma_start3A_78 = arith.constant 4 : i32
      %dma_start3A_79 = arith.constant 512 : i32
      %dma_start3A_80 = arith.constant 0 : i32
      %dma_start3A_81 = tpu.memref_slice %arg9[%dma_start3A_79, %dma_start3A_80] : memref<640x64xf32, #tpu.memory_space<vmem>> -> memref<128x64xf32, #tpu.memory_space<vmem>>
      %dma_start3A_82 = arith.constant 0 : i32
      %dma_start3A_83 = tpu.memref_slice %arg8[%dma_start3A_78, %dma_start3A_82] : memref<5x128xi32, #tpu.memory_space<vmem>> -> memref<1x128xi32, #tpu.memory_space<vmem>>
      %dma_start3A_84 = tpu.memref_squeeze %dma_start3A_83 : memref<1x128xi32, #tpu.memory_space<vmem>> -> memref<128xi32, #tpu.memory_space<vmem>>
      %dma_start3A_85 = arith.constant 0 : i32
      %dma_start3A_86 = arith.constant 0 : i32
      %dma_start3A_87 = tpu.memref_slice %arg2[%dma_start3A_85, %dma_start3A_86] : memref<100000x64xf32, #tpu.memory_space<hbm>> -> memref<100000x64xf32, #tpu.memory_space<hbm>>
      tpu.enqueue_indirect_dma source(%dma_start3A_87 : memref<100000x64xf32, #tpu.memory_space<hbm>>) target(%dma_start3A_81 : memref<128x64xf32, #tpu.memory_space<vmem>>) offsets(%dma_start3A_84 : memref<128xi32, #tpu.memory_space<vmem>>) semaphore(%arg12 : memref<!tpu.dma_semaphore, #tpu.memory_space<semaphore_mem>>)
      %dma_wait3A_88 = arith.constant 0 : i32
      %dma_wait3A_89 = arith.constant 0 : i32
      %dma_wait3A_90 = arith.constant 0 : i32
      %dma_wait3A_91 = tpu.memref_slice %arg9[%dma_wait3A_89, %dma_wait3A_90] : memref<640x64xf32, #tpu.memory_space<vmem>> -> memref<128x64xf32, #tpu.memory_space<vmem>>
      %dma_wait3A_92 = arith.constant 0 : i32
      %dma_wait3A_93 = tpu.memref_slice %arg8[%dma_wait3A_88, %dma_wait3A_92] : memref<5x128xi32, #tpu.memory_space<vmem>> -> memref<1x128xi32, #tpu.memory_space<vmem>>
      %dma_wait3A_94 = tpu.memref_squeeze %dma_wait3A_93 : memref<1x128xi32, #tpu.memory_space<vmem>> -> memref<128xi32, #tpu.memory_space<vmem>>
      %dma_wait3A_95 = arith.constant 0 : i32
      %dma_wait3A_96 = arith.constant 0 : i32
      %dma_wait3A_97 = tpu.memref_slice %arg2[%dma_wait3A_95, %dma_wait3A_96] : memref<100000x64xf32, #tpu.memory_space<hbm>> -> memref<100000x64xf32, #tpu.memory_space<hbm>>
      tpu.wait_indirect_dma semaphore(%arg12 : memref<!tpu.dma_semaphore, #tpu.memory_space<semaphore_mem>>) src(%dma_wait3A_97 : memref<100000x64xf32, #tpu.memory_space<hbm>>) dst(%dma_wait3A_91 : memref<128x64xf32, #tpu.memory_space<vmem>>)
      %dma_wait3A_98 = arith.constant 1 : i32
      %dma_wait3A_99 = arith.constant 128 : i32
      %dma_wait3A_100 = arith.constant 0 : i32
      %dma_wait3A_101 = tpu.memref_slice %arg9[%dma_wait3A_99, %dma_wait3A_100] : memref<640x64xf32, #tpu.memory_space<vmem>> -> memref<128x64xf32, #tpu.memory_space<vmem>>
      %dma_wait3A_102 = arith.constant 0 : i32
      %dma_wait3A_103 = tpu.memref_slice %arg8[%dma_wait3A_98, %dma_wait3A_102] : memref<5x128xi32, #tpu.memory_space<vmem>> -> memref<1x128xi32, #tpu.memory_space<vmem>>
      %dma_wait3A_104 = tpu.memref_squeeze %dma_wait3A_103 : memref<1x128xi32, #tpu.memory_space<vmem>> -> memref<128xi32, #tpu.memory_space<vmem>>
      %dma_wait3A_105 = arith.constant 0 : i32
      %dma_wait3A_106 = arith.constant 0 : i32
      %dma_wait3A_107 = tpu.memref_slice %arg2[%dma_wait3A_105, %dma_wait3A_106] : memref<100000x64xf32, #tpu.memory_space<hbm>> -> memref<100000x64xf32, #tpu.memory_space<hbm>>
      tpu.wait_indirect_dma semaphore(%arg12 : memref<!tpu.dma_semaphore, #tpu.memory_space<semaphore_mem>>) src(%dma_wait3A_107 : memref<100000x64xf32, #tpu.memory_space<hbm>>) dst(%dma_wait3A_101 : memref<128x64xf32, #tpu.memory_space<vmem>>)
      %dma_wait3A_108 = arith.constant 2 : i32
      %dma_wait3A_109 = arith.constant 256 : i32
      %dma_wait3A_110 = arith.constant 0 : i32
      %dma_wait3A_111 = tpu.memref_slice %arg9[%dma_wait3A_109, %dma_wait3A_110] : memref<640x64xf32, #tpu.memory_space<vmem>> -> memref<128x64xf32, #tpu.memory_space<vmem>>
      %dma_wait3A_112 = arith.constant 0 : i32
      %dma_wait3A_113 = tpu.memref_slice %arg8[%dma_wait3A_108, %dma_wait3A_112] : memref<5x128xi32, #tpu.memory_space<vmem>> -> memref<1x128xi32, #tpu.memory_space<vmem>>
      %dma_wait3A_114 = tpu.memref_squeeze %dma_wait3A_113 : memref<1x128xi32, #tpu.memory_space<vmem>> -> memref<128xi32, #tpu.memory_space<vmem>>
      %dma_wait3A_115 = arith.constant 0 : i32
      %dma_wait3A_116 = arith.constant 0 : i32
      %dma_wait3A_117 = tpu.memref_slice %arg2[%dma_wait3A_115, %dma_wait3A_116] : memref<100000x64xf32, #tpu.memory_space<hbm>> -> memref<100000x64xf32, #tpu.memory_space<hbm>>
      tpu.wait_indirect_dma semaphore(%arg12 : memref<!tpu.dma_semaphore, #tpu.memory_space<semaphore_mem>>) src(%dma_wait3A_117 : memref<100000x64xf32, #tpu.memory_space<hbm>>) dst(%dma_wait3A_111 : memref<128x64xf32, #tpu.memory_space<vmem>>)
      %dma_wait3A_118 = arith.constant 3 : i32
      %dma_wait3A_119 = arith.constant 384 : i32
      %dma_wait3A_120 = arith.constant 0 : i32
      %dma_wait3A_121 = tpu.memref_slice %arg9[%dma_wait3A_119, %dma_wait3A_120] : memref<640x64xf32, #tpu.memory_space<vmem>> -> memref<128x64xf32, #tpu.memory_space<vmem>>
      %dma_wait3A_122 = arith.constant 0 : i32
      %dma_wait3A_123 = tpu.memref_slice %arg8[%dma_wait3A_118, %dma_wait3A_122] : memref<5x128xi32, #tpu.memory_space<vmem>> -> memref<1x128xi32, #tpu.memory_space<vmem>>
      %dma_wait3A_124 = tpu.memref_squeeze %dma_wait3A_123 : memref<1x128xi32, #tpu.memory_space<vmem>> -> memref<128xi32, #tpu.memory_space<vmem>>
      %dma_wait3A_125 = arith.constant 0 : i32
      %dma_wait3A_126 = arith.constant 0 : i32
      %dma_wait3A_127 = tpu.memref_slice %arg2[%dma_wait3A_125, %dma_wait3A_126] : memref<100000x64xf32, #tpu.memory_space<hbm>> -> memref<100000x64xf32, #tpu.memory_space<hbm>>
      tpu.wait_indirect_dma semaphore(%arg12 : memref<!tpu.dma_semaphore, #tpu.memory_space<semaphore_mem>>) src(%dma_wait3A_127 : memref<100000x64xf32, #tpu.memory_space<hbm>>) dst(%dma_wait3A_121 : memref<128x64xf32, #tpu.memory_space<vmem>>)
      %dma_wait3A_128 = arith.constant 4 : i32
      %dma_wait3A_129 = arith.constant 512 : i32
      %dma_wait3A_130 = arith.constant 0 : i32
      %dma_wait3A_131 = tpu.memref_slice %arg9[%dma_wait3A_129, %dma_wait3A_130] : memref<640x64xf32, #tpu.memory_space<vmem>> -> memref<128x64xf32, #tpu.memory_space<vmem>>
      %dma_wait3A_132 = arith.constant 0 : i32
      %dma_wait3A_133 = tpu.memref_slice %arg8[%dma_wait3A_128, %dma_wait3A_132] : memref<5x128xi32, #tpu.memory_space<vmem>> -> memref<1x128xi32, #tpu.memory_space<vmem>>
      %dma_wait3A_134 = tpu.memref_squeeze %dma_wait3A_133 : memref<1x128xi32, #tpu.memory_space<vmem>> -> memref<128xi32, #tpu.memory_space<vmem>>
      %dma_wait3A_135 = arith.constant 0 : i32
      %dma_wait3A_136 = arith.constant 0 : i32
      %dma_wait3A_137 = tpu.memref_slice %arg2[%dma_wait3A_135, %dma_wait3A_136] : memref<100000x64xf32, #tpu.memory_space<hbm>> -> memref<100000x64xf32, #tpu.memory_space<hbm>>
      tpu.wait_indirect_dma semaphore(%arg12 : memref<!tpu.dma_semaphore, #tpu.memory_space<semaphore_mem>>) src(%dma_wait3A_137 : memref<100000x64xf32, #tpu.memory_space<hbm>>) dst(%dma_wait3A_131 : memref<128x64xf32, #tpu.memory_space<vmem>>)
      %mul3A_138 = arith.constant 640 : i32
      %mul3A_139 = arith.muli %scan3A_34, %mul3A_138 : i32
      %add3A_140 = arith.addi %mul3A_23, %mul3A_139 : i32
      "tpu.region"() ({
        %run_scoped3A = tpu.sem_alloc : memref<!tpu.dma_semaphore, #tpu.memory_space<semaphore_mem>>
        %dma_start3A_141 = arith.constant 64 : i32
        %dma_start3A_142 = tpu.memref_slice %arg6[%add3A_140, %dma_start3A_141] : memref<204800x128xf32, #tpu.memory_space<hbm>> -> memref<640x64xf32, #tpu.memory_space<hbm>>
        %dma_start3A_143 = arith.constant 64 : i32
        %dma_start3A_144 = tpu.memref_slice %arg6[%add3A_140, %dma_start3A_143] : memref<204800x128xf32, #tpu.memory_space<hbm>> -> memref<640x64xf32, #tpu.memory_space<hbm>>
        tpu.enqueue_dma source(%arg9 : memref<640x64xf32, #tpu.memory_space<vmem>>) target(%dma_start3A_144 : memref<640x64xf32, #tpu.memory_space<hbm>>) target_semaphore(%run_scoped3A : memref<!tpu.dma_semaphore, #tpu.memory_space<semaphore_mem>>)
        %dma_wait3A_145 = arith.constant 64 : i32
        %dma_wait3A_146 = tpu.memref_slice %arg6[%add3A_140, %dma_wait3A_145] : memref<204800x128xf32, #tpu.memory_space<hbm>> -> memref<640x64xf32, #tpu.memory_space<hbm>>
        %dma_wait3A_147 = arith.constant 64 : i32
        %dma_wait3A_148 = tpu.memref_slice %arg6[%add3A_140, %dma_wait3A_147] : memref<204800x128xf32, #tpu.memory_space<hbm>> -> memref<640x64xf32, #tpu.memory_space<hbm>>
        tpu.wait_dma2 semaphore(%run_scoped3A : memref<!tpu.dma_semaphore, #tpu.memory_space<semaphore_mem>>) src(%arg9 : memref<640x64xf32, #tpu.memory_space<vmem>>) dst(%dma_wait3A_148 : memref<640x64xf32, #tpu.memory_space<hbm>>)
        tpu.yield
      }) : () -> ()
    }
    %scan3A_33 = arith.constant 10 : i32
    return
  }
}

#map = affine_map<(d0, d1) -> (0, 0)>
#map1 = affine_map<(d0, d1) -> (0)>
module attributes {stable_mosaic.version = 14 : i64} {
  func.func @k(%arg0: i32, %arg1: i32, %arg2: memref<100000x64xf32, #tpu.memory_space<hbm>>, %arg3: memref<3200x128xi32, #tpu.memory_space<hbm>>, %arg4: memref<100000x64xf32, #tpu.memory_space<hbm>>, %arg5: memref<2048xi32, #tpu.memory_space<hbm>>, %arg6: memref<204800x128xf32, #tpu.memory_space<hbm>>, %arg7: memref<1024x128xf32, #tpu.memory_space<hbm>>, %arg8: memref<5x128xi32, #tpu.memory_space<vmem>>, %arg9: memref<640x64xf32, #tpu.memory_space<vmem>>, %arg10: memref<64xi32, #tpu.memory_space<vmem>>, %arg11: memref<64x64xf32, #tpu.memory_space<vmem>>, %arg12: memref<!tpu.dma_semaphore, #tpu.memory_space<semaphore_mem>>, %arg13: memref<!tpu.dma_semaphore, #tpu.memory_space<semaphore_mem>>) attributes {dimension_semantics = [#tpu.dimension_semantics<core_parallel>, #tpu.dimension_semantics<subcore_parallel>], iteration_bounds = array<i64: 2, 16>, scalar_prefetch = 0 : i64, scratch_operands = 6 : i64, tpu.core_type = #tpu.core_type<sc_vector_subcore>, window_params = [{transform_indices = #map}, {transform_indices = #map}, {transform_indices = #map}, {transform_indices = #map1}, {transform_indices = #map}, {transform_indices = #map}]} {
    %mul3A = arith.constant 2 : i32
    %mul3A_0 = arith.muli %arg1, %mul3A : i32
    %add3A = arith.addi %mul3A_0, %arg0 : i32
    %mul3A_1 = arith.constant 64 : i32
    %mul3A_2 = arith.muli %add3A, %mul3A_1 : i32
    "tpu.region"() ({
      %run_scoped3A = tpu.sem_alloc : memref<!tpu.dma_semaphore, #tpu.memory_space<semaphore_mem>>
      %dma_start3A_34 = tpu.memref_slice %arg5[%mul3A_2] : memref<2048xi32, #tpu.memory_space<hbm>> -> memref<64xi32, #tpu.memory_space<hbm>>
      %dma_start3A_35 = tpu.memref_slice %arg5[%mul3A_2] : memref<2048xi32, #tpu.memory_space<hbm>> -> memref<64xi32, #tpu.memory_space<hbm>>
      tpu.enqueue_dma source(%dma_start3A_35 : memref<64xi32, #tpu.memory_space<hbm>>) target(%arg10 : memref<64xi32, #tpu.memory_space<vmem>>) target_semaphore(%run_scoped3A : memref<!tpu.dma_semaphore, #tpu.memory_space<semaphore_mem>>)
      %dma_wait3A_36 = tpu.memref_slice %arg5[%mul3A_2] : memref<2048xi32, #tpu.memory_space<hbm>> -> memref<64xi32, #tpu.memory_space<hbm>>
      %dma_wait3A_37 = tpu.memref_slice %arg5[%mul3A_2] : memref<2048xi32, #tpu.memory_space<hbm>> -> memref<64xi32, #tpu.memory_space<hbm>>
      tpu.wait_dma2 semaphore(%run_scoped3A : memref<!tpu.dma_semaphore, #tpu.memory_space<semaphore_mem>>) src(%dma_wait3A_37 : memref<64xi32, #tpu.memory_space<hbm>>) dst(%arg10 : memref<64xi32, #tpu.memory_space<vmem>>)
      tpu.yield
    }) : () -> ()
    %dma_start3A = arith.constant 0 : i32
    %dma_start3A_3 = arith.constant 0 : i32
    %dma_start3A_4 = tpu.memref_slice %arg4[%dma_start3A, %dma_start3A_3] : memref<100000x64xf32, #tpu.memory_space<hbm>> -> memref<100000x64xf32, #tpu.memory_space<hbm>>
    tpu.enqueue_indirect_dma source(%dma_start3A_4 : memref<100000x64xf32, #tpu.memory_space<hbm>>) target(%arg11 : memref<64x64xf32, #tpu.memory_space<vmem>>) offsets(%arg10 : memref<64xi32, #tpu.memory_space<vmem>>) semaphore(%arg13 : memref<!tpu.dma_semaphore, #tpu.memory_space<semaphore_mem>>)
    %dma_wait3A = arith.constant 0 : i32
    %dma_wait3A_5 = arith.constant 0 : i32
    %dma_wait3A_6 = tpu.memref_slice %arg4[%dma_wait3A, %dma_wait3A_5] : memref<100000x64xf32, #tpu.memory_space<hbm>> -> memref<100000x64xf32, #tpu.memory_space<hbm>>
    tpu.wait_indirect_dma semaphore(%arg13 : memref<!tpu.dma_semaphore, #tpu.memory_space<semaphore_mem>>) src(%dma_wait3A_6 : memref<100000x64xf32, #tpu.memory_space<hbm>>) dst(%arg11 : memref<64x64xf32, #tpu.memory_space<vmem>>)
    %mul3A_7 = arith.constant 32 : i32
    %mul3A_8 = arith.muli %add3A, %mul3A_7 : i32
    "tpu.region"() ({
      %run_scoped3A = tpu.sem_alloc : memref<!tpu.dma_semaphore, #tpu.memory_space<semaphore_mem>>
      %dma_start3A_34 = arith.constant 0 : i32
      %dma_start3A_35 = arith.constant 0 : i32
      %dma_start3A_36 = tpu.memref_slice %arg11[%dma_start3A_34, %dma_start3A_35] : memref<64x64xf32, #tpu.memory_space<vmem>> -> memref<32x64xf32, #tpu.memory_space<vmem>>
      %dma_start3A_37 = arith.constant 0 : i32
      %dma_start3A_38 = tpu.memref_slice %arg7[%mul3A_8, %dma_start3A_37] : memref<1024x128xf32, #tpu.memory_space<hbm>> -> memref<32x64xf32, #tpu.memory_space<hbm>>
      %dma_start3A_39 = arith.constant 0 : i32
      %dma_start3A_40 = tpu.memref_slice %arg7[%mul3A_8, %dma_start3A_39] : memref<1024x128xf32, #tpu.memory_space<hbm>> -> memref<32x64xf32, #tpu.memory_space<hbm>>
      %dma_start3A_41 = arith.constant 0 : i32
      %dma_start3A_42 = arith.constant 0 : i32
      %dma_start3A_43 = tpu.memref_slice %arg11[%dma_start3A_41, %dma_start3A_42] : memref<64x64xf32, #tpu.memory_space<vmem>> -> memref<32x64xf32, #tpu.memory_space<vmem>>
      tpu.enqueue_dma source(%dma_start3A_43 : memref<32x64xf32, #tpu.memory_space<vmem>>) target(%dma_start3A_40 : memref<32x64xf32, #tpu.memory_space<hbm>>) target_semaphore(%run_scoped3A : memref<!tpu.dma_semaphore, #tpu.memory_space<semaphore_mem>>)
      %dma_wait3A_44 = arith.constant 0 : i32
      %dma_wait3A_45 = arith.constant 0 : i32
      %dma_wait3A_46 = tpu.memref_slice %arg11[%dma_wait3A_44, %dma_wait3A_45] : memref<64x64xf32, #tpu.memory_space<vmem>> -> memref<32x64xf32, #tpu.memory_space<vmem>>
      %dma_wait3A_47 = arith.constant 0 : i32
      %dma_wait3A_48 = tpu.memref_slice %arg7[%mul3A_8, %dma_wait3A_47] : memref<1024x128xf32, #tpu.memory_space<hbm>> -> memref<32x64xf32, #tpu.memory_space<hbm>>
      %dma_wait3A_49 = arith.constant 0 : i32
      %dma_wait3A_50 = tpu.memref_slice %arg7[%mul3A_8, %dma_wait3A_49] : memref<1024x128xf32, #tpu.memory_space<hbm>> -> memref<32x64xf32, #tpu.memory_space<hbm>>
      %dma_wait3A_51 = arith.constant 0 : i32
      %dma_wait3A_52 = arith.constant 0 : i32
      %dma_wait3A_53 = tpu.memref_slice %arg11[%dma_wait3A_51, %dma_wait3A_52] : memref<64x64xf32, #tpu.memory_space<vmem>> -> memref<32x64xf32, #tpu.memory_space<vmem>>
      tpu.wait_dma2 semaphore(%run_scoped3A : memref<!tpu.dma_semaphore, #tpu.memory_space<semaphore_mem>>) src(%dma_wait3A_53 : memref<32x64xf32, #tpu.memory_space<vmem>>) dst(%dma_wait3A_50 : memref<32x64xf32, #tpu.memory_space<hbm>>)
      tpu.yield
    }) : () -> ()
    %mul3A_9 = arith.constant 32 : i32
    %mul3A_10 = arith.muli %add3A, %mul3A_9 : i32
    "tpu.region"() ({
      %run_scoped3A = tpu.sem_alloc : memref<!tpu.dma_semaphore, #tpu.memory_space<semaphore_mem>>
      %dma_start3A_34 = arith.constant 32 : i32
      %dma_start3A_35 = arith.constant 0 : i32
      %dma_start3A_36 = tpu.memref_slice %arg11[%dma_start3A_34, %dma_start3A_35] : memref<64x64xf32, #tpu.memory_space<vmem>> -> memref<32x64xf32, #tpu.memory_space<vmem>>
      %dma_start3A_37 = arith.constant 64 : i32
      %dma_start3A_38 = tpu.memref_slice %arg7[%mul3A_10, %dma_start3A_37] : memref<1024x128xf32, #tpu.memory_space<hbm>> -> memref<32x64xf32, #tpu.memory_space<hbm>>
      %dma_start3A_39 = arith.constant 64 : i32
      %dma_start3A_40 = tpu.memref_slice %arg7[%mul3A_10, %dma_start3A_39] : memref<1024x128xf32, #tpu.memory_space<hbm>> -> memref<32x64xf32, #tpu.memory_space<hbm>>
      %dma_start3A_41 = arith.constant 32 : i32
      %dma_start3A_42 = arith.constant 0 : i32
      %dma_start3A_43 = tpu.memref_slice %arg11[%dma_start3A_41, %dma_start3A_42] : memref<64x64xf32, #tpu.memory_space<vmem>> -> memref<32x64xf32, #tpu.memory_space<vmem>>
      tpu.enqueue_dma source(%dma_start3A_43 : memref<32x64xf32, #tpu.memory_space<vmem>>) target(%dma_start3A_40 : memref<32x64xf32, #tpu.memory_space<hbm>>) target_semaphore(%run_scoped3A : memref<!tpu.dma_semaphore, #tpu.memory_space<semaphore_mem>>)
      %dma_wait3A_44 = arith.constant 32 : i32
      %dma_wait3A_45 = arith.constant 0 : i32
      %dma_wait3A_46 = tpu.memref_slice %arg11[%dma_wait3A_44, %dma_wait3A_45] : memref<64x64xf32, #tpu.memory_space<vmem>> -> memref<32x64xf32, #tpu.memory_space<vmem>>
      %dma_wait3A_47 = arith.constant 64 : i32
      %dma_wait3A_48 = tpu.memref_slice %arg7[%mul3A_10, %dma_wait3A_47] : memref<1024x128xf32, #tpu.memory_space<hbm>> -> memref<32x64xf32, #tpu.memory_space<hbm>>
      %dma_wait3A_49 = arith.constant 64 : i32
      %dma_wait3A_50 = tpu.memref_slice %arg7[%mul3A_10, %dma_wait3A_49] : memref<1024x128xf32, #tpu.memory_space<hbm>> -> memref<32x64xf32, #tpu.memory_space<hbm>>
      %dma_wait3A_51 = arith.constant 32 : i32
      %dma_wait3A_52 = arith.constant 0 : i32
      %dma_wait3A_53 = tpu.memref_slice %arg11[%dma_wait3A_51, %dma_wait3A_52] : memref<64x64xf32, #tpu.memory_space<vmem>> -> memref<32x64xf32, #tpu.memory_space<vmem>>
      tpu.wait_dma2 semaphore(%run_scoped3A : memref<!tpu.dma_semaphore, #tpu.memory_space<semaphore_mem>>) src(%dma_wait3A_53 : memref<32x64xf32, #tpu.memory_space<vmem>>) dst(%dma_wait3A_50 : memref<32x64xf32, #tpu.memory_space<hbm>>)
      tpu.yield
    }) : () -> ()
    %mul3A_11 = arith.constant 6400 : i32
    %mul3A_12 = arith.muli %add3A, %mul3A_11 : i32
    %mul3A_13 = arith.constant 100 : i32
    %mul3A_14 = arith.muli %add3A, %mul3A_13 : i32
    %add3A_15 = arith.constant 0 : i32
    %add3A_16 = arith.addi %mul3A_14, %add3A_15 : i32
    %scan3A = arith.constant 0 : i32
    %scan3A_17 = arith.constant 0 : i32
    %scan3A_18 = arith.constant 10 : i32
    %scan3A_19 = arith.addi %scan3A_17, %scan3A_18 : i32
    %scan3A_20 = arith.constant 1 : i32
    scf.for %scan3A_34 = %scan3A_17 to %scan3A_19 step %scan3A_20  : i32 {
      %mul3A_35 = arith.constant 5 : i32
      %mul3A_36 = arith.muli %scan3A_34, %mul3A_35 : i32
      %add3A_37 = arith.addi %add3A_16, %mul3A_36 : i32
      "tpu.region"() ({
        %run_scoped3A = tpu.sem_alloc : memref<!tpu.dma_semaphore, #tpu.memory_space<semaphore_mem>>
        %dma_start3A_141 = arith.constant 0 : i32
        %dma_start3A_142 = tpu.memref_slice %arg3[%add3A_37, %dma_start3A_141] : memref<3200x128xi32, #tpu.memory_space<hbm>> -> memref<5x128xi32, #tpu.memory_space<hbm>>
        %dma_start3A_143 = arith.constant 0 : i32
        %dma_start3A_144 = tpu.memref_slice %arg3[%add3A_37, %dma_start3A_143] : memref<3200x128xi32, #tpu.memory_space<hbm>> -> memref<5x128xi32, #tpu.memory_space<hbm>>
        tpu.enqueue_dma source(%dma_start3A_144 : memref<5x128xi32, #tpu.memory_space<hbm>>) target(%arg8 : memref<5x128xi32, #tpu.memory_space<vmem>>) target_semaphore(%run_scoped3A : memref<!tpu.dma_semaphore, #tpu.memory_space<semaphore_mem>>)
        %dma_wait3A_145 = arith.constant 0 : i32
        %dma_wait3A_146 = tpu.memref_slice %arg3[%add3A_37, %dma_wait3A_145] : memref<3200x128xi32, #tpu.memory_space<hbm>> -> memref<5x128xi32, #tpu.memory_space<hbm>>
        %dma_wait3A_147 = arith.constant 0 : i32
        %dma_wait3A_148 = tpu.memref_slice %arg3[%add3A_37, %dma_wait3A_147] : memref<3200x128xi32, #tpu.memory_space<hbm>> -> memref<5x128xi32, #tpu.memory_space<hbm>>
        tpu.wait_dma2 semaphore(%run_scoped3A : memref<!tpu.dma_semaphore, #tpu.memory_space<semaphore_mem>>) src(%dma_wait3A_148 : memref<5x128xi32, #tpu.memory_space<hbm>>) dst(%arg8 : memref<5x128xi32, #tpu.memory_space<vmem>>)
        tpu.yield
      }) : () -> ()
      %dma_start3A_38 = arith.constant 0 : i32
      %dma_start3A_39 = arith.constant 0 : i32
      %dma_start3A_40 = arith.constant 0 : i32
      %dma_start3A_41 = tpu.memref_slice %arg9[%dma_start3A_39, %dma_start3A_40] : memref<640x64xf32, #tpu.memory_space<vmem>> -> memref<128x64xf32, #tpu.memory_space<vmem>>
      %dma_start3A_42 = arith.constant 0 : i32
      %dma_start3A_43 = tpu.memref_slice %arg8[%dma_start3A_38, %dma_start3A_42] : memref<5x128xi32, #tpu.memory_space<vmem>> -> memref<1x128xi32, #tpu.memory_space<vmem>>
      %dma_start3A_44 = tpu.memref_squeeze %dma_start3A_43 : memref<1x128xi32, #tpu.memory_space<vmem>> -> memref<128xi32, #tpu.memory_space<vmem>>
      %dma_start3A_45 = arith.constant 0 : i32
      %dma_start3A_46 = arith.constant 0 : i32
      %dma_start3A_47 = tpu.memref_slice %arg2[%dma_start3A_45, %dma_start3A_46] : memref<100000x64xf32, #tpu.memory_space<hbm>> -> memref<100000x64xf32, #tpu.memory_space<hbm>>
      tpu.enqueue_indirect_dma source(%dma_start3A_47 : memref<100000x64xf32, #tpu.memory_space<hbm>>) target(%dma_start3A_41 : memref<128x64xf32, #tpu.memory_space<vmem>>) offsets(%dma_start3A_44 : memref<128xi32, #tpu.memory_space<vmem>>) semaphore(%arg12 : memref<!tpu.dma_semaphore, #tpu.memory_space<semaphore_mem>>)
      %dma_start3A_48 = arith.constant 1 : i32
      %dma_start3A_49 = arith.constant 128 : i32
      %dma_start3A_50 = arith.constant 0 : i32
      %dma_start3A_51 = tpu.memref_slice %arg9[%dma_start3A_49, %dma_start3A_50] : memref<640x64xf32, #tpu.memory_space<vmem>> -> memref<128x64xf32, #tpu.memory_space<vmem>>
      %dma_start3A_52 = arith.constant 0 : i32
      %dma_start3A_53 = tpu.memref_slice %arg8[%dma_start3A_48, %dma_start3A_52] : memref<5x128xi32, #tpu.memory_space<vmem>> -> memref<1x128xi32, #tpu.memory_space<vmem>>
      %dma_start3A_54 = tpu.memref_squeeze %dma_start3A_53 : memref<1x128xi32, #tpu.memory_space<vmem>> -> memref<128xi32, #tpu.memory_space<vmem>>
      %dma_start3A_55 = arith.constant 0 : i32
      %dma_start3A_56 = arith.constant 0 : i32
      %dma_start3A_57 = tpu.memref_slice %arg2[%dma_start3A_55, %dma_start3A_56] : memref<100000x64xf32, #tpu.memory_space<hbm>> -> memref<100000x64xf32, #tpu.memory_space<hbm>>
      tpu.enqueue_indirect_dma source(%dma_start3A_57 : memref<100000x64xf32, #tpu.memory_space<hbm>>) target(%dma_start3A_51 : memref<128x64xf32, #tpu.memory_space<vmem>>) offsets(%dma_start3A_54 : memref<128xi32, #tpu.memory_space<vmem>>) semaphore(%arg12 : memref<!tpu.dma_semaphore, #tpu.memory_space<semaphore_mem>>)
      %dma_start3A_58 = arith.constant 2 : i32
      %dma_start3A_59 = arith.constant 256 : i32
      %dma_start3A_60 = arith.constant 0 : i32
      %dma_start3A_61 = tpu.memref_slice %arg9[%dma_start3A_59, %dma_start3A_60] : memref<640x64xf32, #tpu.memory_space<vmem>> -> memref<128x64xf32, #tpu.memory_space<vmem>>
      %dma_start3A_62 = arith.constant 0 : i32
      %dma_start3A_63 = tpu.memref_slice %arg8[%dma_start3A_58, %dma_start3A_62] : memref<5x128xi32, #tpu.memory_space<vmem>> -> memref<1x128xi32, #tpu.memory_space<vmem>>
      %dma_start3A_64 = tpu.memref_squeeze %dma_start3A_63 : memref<1x128xi32, #tpu.memory_space<vmem>> -> memref<128xi32, #tpu.memory_space<vmem>>
      %dma_start3A_65 = arith.constant 0 : i32
      %dma_start3A_66 = arith.constant 0 : i32
      %dma_start3A_67 = tpu.memref_slice %arg2[%dma_start3A_65, %dma_start3A_66] : memref<100000x64xf32, #tpu.memory_space<hbm>> -> memref<100000x64xf32, #tpu.memory_space<hbm>>
      tpu.enqueue_indirect_dma source(%dma_start3A_67 : memref<100000x64xf32, #tpu.memory_space<hbm>>) target(%dma_start3A_61 : memref<128x64xf32, #tpu.memory_space<vmem>>) offsets(%dma_start3A_64 : memref<128xi32, #tpu.memory_space<vmem>>) semaphore(%arg12 : memref<!tpu.dma_semaphore, #tpu.memory_space<semaphore_mem>>)
      %dma_start3A_68 = arith.constant 3 : i32
      %dma_start3A_69 = arith.constant 384 : i32
      %dma_start3A_70 = arith.constant 0 : i32
      %dma_start3A_71 = tpu.memref_slice %arg9[%dma_start3A_69, %dma_start3A_70] : memref<640x64xf32, #tpu.memory_space<vmem>> -> memref<128x64xf32, #tpu.memory_space<vmem>>
      %dma_start3A_72 = arith.constant 0 : i32
      %dma_start3A_73 = tpu.memref_slice %arg8[%dma_start3A_68, %dma_start3A_72] : memref<5x128xi32, #tpu.memory_space<vmem>> -> memref<1x128xi32, #tpu.memory_space<vmem>>
      %dma_start3A_74 = tpu.memref_squeeze %dma_start3A_73 : memref<1x128xi32, #tpu.memory_space<vmem>> -> memref<128xi32, #tpu.memory_space<vmem>>
      %dma_start3A_75 = arith.constant 0 : i32
      %dma_start3A_76 = arith.constant 0 : i32
      %dma_start3A_77 = tpu.memref_slice %arg2[%dma_start3A_75, %dma_start3A_76] : memref<100000x64xf32, #tpu.memory_space<hbm>> -> memref<100000x64xf32, #tpu.memory_space<hbm>>
      tpu.enqueue_indirect_dma source(%dma_start3A_77 : memref<100000x64xf32, #tpu.memory_space<hbm>>) target(%dma_start3A_71 : memref<128x64xf32, #tpu.memory_space<vmem>>) offsets(%dma_start3A_74 : memref<128xi32, #tpu.memory_space<vmem>>) semaphore(%arg12 : memref<!tpu.dma_semaphore, #tpu.memory_space<semaphore_mem>>)
      %dma_start3A_78 = arith.constant 4 : i32
      %dma_start3A_79 = arith.constant 512 : i32
      %dma_start3A_80 = arith.constant 0 : i32
      %dma_start3A_81 = tpu.memref_slice %arg9[%dma_start3A_79, %dma_start3A_80] : memref<640x64xf32, #tpu.memory_space<vmem>> -> memref<128x64xf32, #tpu.memory_space<vmem>>
      %dma_start3A_82 = arith.constant 0 : i32
      %dma_start3A_83 = tpu.memref_slice %arg8[%dma_start3A_78, %dma_start3A_82] : memref<5x128xi32, #tpu.memory_space<vmem>> -> memref<1x128xi32, #tpu.memory_space<vmem>>
      %dma_start3A_84 = tpu.memref_squeeze %dma_start3A_83 : memref<1x128xi32, #tpu.memory_space<vmem>> -> memref<128xi32, #tpu.memory_space<vmem>>
      %dma_start3A_85 = arith.constant 0 : i32
      %dma_start3A_86 = arith.constant 0 : i32
      %dma_start3A_87 = tpu.memref_slice %arg2[%dma_start3A_85, %dma_start3A_86] : memref<100000x64xf32, #tpu.memory_space<hbm>> -> memref<100000x64xf32, #tpu.memory_space<hbm>>
      tpu.enqueue_indirect_dma source(%dma_start3A_87 : memref<100000x64xf32, #tpu.memory_space<hbm>>) target(%dma_start3A_81 : memref<128x64xf32, #tpu.memory_space<vmem>>) offsets(%dma_start3A_84 : memref<128xi32, #tpu.memory_space<vmem>>) semaphore(%arg12 : memref<!tpu.dma_semaphore, #tpu.memory_space<semaphore_mem>>)
      %dma_wait3A_88 = arith.constant 0 : i32
      %dma_wait3A_89 = arith.constant 0 : i32
      %dma_wait3A_90 = arith.constant 0 : i32
      %dma_wait3A_91 = tpu.memref_slice %arg9[%dma_wait3A_89, %dma_wait3A_90] : memref<640x64xf32, #tpu.memory_space<vmem>> -> memref<128x64xf32, #tpu.memory_space<vmem>>
      %dma_wait3A_92 = arith.constant 0 : i32
      %dma_wait3A_93 = tpu.memref_slice %arg8[%dma_wait3A_88, %dma_wait3A_92] : memref<5x128xi32, #tpu.memory_space<vmem>> -> memref<1x128xi32, #tpu.memory_space<vmem>>
      %dma_wait3A_94 = tpu.memref_squeeze %dma_wait3A_93 : memref<1x128xi32, #tpu.memory_space<vmem>> -> memref<128xi32, #tpu.memory_space<vmem>>
      %dma_wait3A_95 = arith.constant 0 : i32
      %dma_wait3A_96 = arith.constant 0 : i32
      %dma_wait3A_97 = tpu.memref_slice %arg2[%dma_wait3A_95, %dma_wait3A_96] : memref<100000x64xf32, #tpu.memory_space<hbm>> -> memref<100000x64xf32, #tpu.memory_space<hbm>>
      tpu.wait_indirect_dma semaphore(%arg12 : memref<!tpu.dma_semaphore, #tpu.memory_space<semaphore_mem>>) src(%dma_wait3A_97 : memref<100000x64xf32, #tpu.memory_space<hbm>>) dst(%dma_wait3A_91 : memref<128x64xf32, #tpu.memory_space<vmem>>)
      %dma_wait3A_98 = arith.constant 1 : i32
      %dma_wait3A_99 = arith.constant 128 : i32
      %dma_wait3A_100 = arith.constant 0 : i32
      %dma_wait3A_101 = tpu.memref_slice %arg9[%dma_wait3A_99, %dma_wait3A_100] : memref<640x64xf32, #tpu.memory_space<vmem>> -> memref<128x64xf32, #tpu.memory_space<vmem>>
      %dma_wait3A_102 = arith.constant 0 : i32
      %dma_wait3A_103 = tpu.memref_slice %arg8[%dma_wait3A_98, %dma_wait3A_102] : memref<5x128xi32, #tpu.memory_space<vmem>> -> memref<1x128xi32, #tpu.memory_space<vmem>>
      %dma_wait3A_104 = tpu.memref_squeeze %dma_wait3A_103 : memref<1x128xi32, #tpu.memory_space<vmem>> -> memref<128xi32, #tpu.memory_space<vmem>>
      %dma_wait3A_105 = arith.constant 0 : i32
      %dma_wait3A_106 = arith.constant 0 : i32
      %dma_wait3A_107 = tpu.memref_slice %arg2[%dma_wait3A_105, %dma_wait3A_106] : memref<100000x64xf32, #tpu.memory_space<hbm>> -> memref<100000x64xf32, #tpu.memory_space<hbm>>
      tpu.wait_indirect_dma semaphore(%arg12 : memref<!tpu.dma_semaphore, #tpu.memory_space<semaphore_mem>>) src(%dma_wait3A_107 : memref<100000x64xf32, #tpu.memory_space<hbm>>) dst(%dma_wait3A_101 : memref<128x64xf32, #tpu.memory_space<vmem>>)
      %dma_wait3A_108 = arith.constant 2 : i32
      %dma_wait3A_109 = arith.constant 256 : i32
      %dma_wait3A_110 = arith.constant 0 : i32
      %dma_wait3A_111 = tpu.memref_slice %arg9[%dma_wait3A_109, %dma_wait3A_110] : memref<640x64xf32, #tpu.memory_space<vmem>> -> memref<128x64xf32, #tpu.memory_space<vmem>>
      %dma_wait3A_112 = arith.constant 0 : i32
      %dma_wait3A_113 = tpu.memref_slice %arg8[%dma_wait3A_108, %dma_wait3A_112] : memref<5x128xi32, #tpu.memory_space<vmem>> -> memref<1x128xi32, #tpu.memory_space<vmem>>
      %dma_wait3A_114 = tpu.memref_squeeze %dma_wait3A_113 : memref<1x128xi32, #tpu.memory_space<vmem>> -> memref<128xi32, #tpu.memory_space<vmem>>
      %dma_wait3A_115 = arith.constant 0 : i32
      %dma_wait3A_116 = arith.constant 0 : i32
      %dma_wait3A_117 = tpu.memref_slice %arg2[%dma_wait3A_115, %dma_wait3A_116] : memref<100000x64xf32, #tpu.memory_space<hbm>> -> memref<100000x64xf32, #tpu.memory_space<hbm>>
      tpu.wait_indirect_dma semaphore(%arg12 : memref<!tpu.dma_semaphore, #tpu.memory_space<semaphore_mem>>) src(%dma_wait3A_117 : memref<100000x64xf32, #tpu.memory_space<hbm>>) dst(%dma_wait3A_111 : memref<128x64xf32, #tpu.memory_space<vmem>>)
      %dma_wait3A_118 = arith.constant 3 : i32
      %dma_wait3A_119 = arith.constant 384 : i32
      %dma_wait3A_120 = arith.constant 0 : i32
      %dma_wait3A_121 = tpu.memref_slice %arg9[%dma_wait3A_119, %dma_wait3A_120] : memref<640x64xf32, #tpu.memory_space<vmem>> -> memref<128x64xf32, #tpu.memory_space<vmem>>
      %dma_wait3A_122 = arith.constant 0 : i32
      %dma_wait3A_123 = tpu.memref_slice %arg8[%dma_wait3A_118, %dma_wait3A_122] : memref<5x128xi32, #tpu.memory_space<vmem>> -> memref<1x128xi32, #tpu.memory_space<vmem>>
      %dma_wait3A_124 = tpu.memref_squeeze %dma_wait3A_123 : memref<1x128xi32, #tpu.memory_space<vmem>> -> memref<128xi32, #tpu.memory_space<vmem>>
      %dma_wait3A_125 = arith.constant 0 : i32
      %dma_wait3A_126 = arith.constant 0 : i32
      %dma_wait3A_127 = tpu.memref_slice %arg2[%dma_wait3A_125, %dma_wait3A_126] : memref<100000x64xf32, #tpu.memory_space<hbm>> -> memref<100000x64xf32, #tpu.memory_space<hbm>>
      tpu.wait_indirect_dma semaphore(%arg12 : memref<!tpu.dma_semaphore, #tpu.memory_space<semaphore_mem>>) src(%dma_wait3A_127 : memref<100000x64xf32, #tpu.memory_space<hbm>>) dst(%dma_wait3A_121 : memref<128x64xf32, #tpu.memory_space<vmem>>)
      %dma_wait3A_128 = arith.constant 4 : i32
      %dma_wait3A_129 = arith.constant 512 : i32
      %dma_wait3A_130 = arith.constant 0 : i32
      %dma_wait3A_131 = tpu.memref_slice %arg9[%dma_wait3A_129, %dma_wait3A_130] : memref<640x64xf32, #tpu.memory_space<vmem>> -> memref<128x64xf32, #tpu.memory_space<vmem>>
      %dma_wait3A_132 = arith.constant 0 : i32
      %dma_wait3A_133 = tpu.memref_slice %arg8[%dma_wait3A_128, %dma_wait3A_132] : memref<5x128xi32, #tpu.memory_space<vmem>> -> memref<1x128xi32, #tpu.memory_space<vmem>>
      %dma_wait3A_134 = tpu.memref_squeeze %dma_wait3A_133 : memref<1x128xi32, #tpu.memory_space<vmem>> -> memref<128xi32, #tpu.memory_space<vmem>>
      %dma_wait3A_135 = arith.constant 0 : i32
      %dma_wait3A_136 = arith.constant 0 : i32
      %dma_wait3A_137 = tpu.memref_slice %arg2[%dma_wait3A_135, %dma_wait3A_136] : memref<100000x64xf32, #tpu.memory_space<hbm>> -> memref<100000x64xf32, #tpu.memory_space<hbm>>
      tpu.wait_indirect_dma semaphore(%arg12 : memref<!tpu.dma_semaphore, #tpu.memory_space<semaphore_mem>>) src(%dma_wait3A_137 : memref<100000x64xf32, #tpu.memory_space<hbm>>) dst(%dma_wait3A_131 : memref<128x64xf32, #tpu.memory_space<vmem>>)
      %mul3A_138 = arith.constant 640 : i32
      %mul3A_139 = arith.muli %scan3A_34, %mul3A_138 : i32
      %add3A_140 = arith.addi %mul3A_12, %mul3A_139 : i32
      "tpu.region"() ({
        %run_scoped3A = tpu.sem_alloc : memref<!tpu.dma_semaphore, #tpu.memory_space<semaphore_mem>>
        %dma_start3A_141 = arith.constant 0 : i32
        %dma_start3A_142 = tpu.memref_slice %arg6[%add3A_140, %dma_start3A_141] : memref<204800x128xf32, #tpu.memory_space<hbm>> -> memref<640x64xf32, #tpu.memory_space<hbm>>
        %dma_start3A_143 = arith.constant 0 : i32
        %dma_start3A_144 = tpu.memref_slice %arg6[%add3A_140, %dma_start3A_143] : memref<204800x128xf32, #tpu.memory_space<hbm>> -> memref<640x64xf32, #tpu.memory_space<hbm>>
        tpu.enqueue_dma source(%arg9 : memref<640x64xf32, #tpu.memory_space<vmem>>) target(%dma_start3A_144 : memref<640x64xf32, #tpu.memory_space<hbm>>) target_semaphore(%run_scoped3A : memref<!tpu.dma_semaphore, #tpu.memory_space<semaphore_mem>>)
        %dma_wait3A_145 = arith.constant 0 : i32
        %dma_wait3A_146 = tpu.memref_slice %arg6[%add3A_140, %dma_wait3A_145] : memref<204800x128xf32, #tpu.memory_space<hbm>> -> memref<640x64xf32, #tpu.memory_space<hbm>>
        %dma_wait3A_147 = arith.constant 0 : i32
        %dma_wait3A_148 = tpu.memref_slice %arg6[%add3A_140, %dma_wait3A_147] : memref<204800x128xf32, #tpu.memory_space<hbm>> -> memref<640x64xf32, #tpu.memory_space<hbm>>
        tpu.wait_dma2 semaphore(%run_scoped3A : memref<!tpu.dma_semaphore, #tpu.memory_space<semaphore_mem>>) src(%arg9 : memref<640x64xf32, #tpu.memory_space<vmem>>) dst(%dma_wait3A_148 : memref<640x64xf32, #tpu.memory_space<hbm>>)
        tpu.yield
      }) : () -> ()
    }
    %scan3A_21 = arith.constant 10 : i32
    %mul3A_22 = arith.constant 6400 : i32
    %mul3A_23 = arith.muli %add3A, %mul3A_22 : i32
    %mul3A_24 = arith.constant 100 : i32
    %mul3A_25 = arith.muli %add3A, %mul3A_24 : i32
    %add3A_26 = arith.constant 50 : i32
    %add3A_27 = arith.addi %mul3A_25, %add3A_26 : i32
    %scan3A_28 = arith.constant 0 : i32
    %scan3A_29 = arith.constant 0 : i32
    %scan3A_30 = arith.constant 10 : i32
    %scan3A_31 = arith.addi %scan3A_29, %scan3A_30 : i32
    %scan3A_32 = arith.constant 1 : i32
    scf.for %scan3A_34 = %scan3A_29 to %scan3A_31 step %scan3A_32  : i32 {
      %mul3A_35 = arith.constant 5 : i32
      %mul3A_36 = arith.muli %scan3A_34, %mul3A_35 : i32
      %add3A_37 = arith.addi %add3A_27, %mul3A_36 : i32
      "tpu.region"() ({
        %run_scoped3A = tpu.sem_alloc : memref<!tpu.dma_semaphore, #tpu.memory_space<semaphore_mem>>
        %dma_start3A_141 = arith.constant 0 : i32
        %dma_start3A_142 = tpu.memref_slice %arg3[%add3A_37, %dma_start3A_141] : memref<3200x128xi32, #tpu.memory_space<hbm>> -> memref<5x128xi32, #tpu.memory_space<hbm>>
        %dma_start3A_143 = arith.constant 0 : i32
        %dma_start3A_144 = tpu.memref_slice %arg3[%add3A_37, %dma_start3A_143] : memref<3200x128xi32, #tpu.memory_space<hbm>> -> memref<5x128xi32, #tpu.memory_space<hbm>>
        tpu.enqueue_dma source(%dma_start3A_144 : memref<5x128xi32, #tpu.memory_space<hbm>>) target(%arg8 : memref<5x128xi32, #tpu.memory_space<vmem>>) target_semaphore(%run_scoped3A : memref<!tpu.dma_semaphore, #tpu.memory_space<semaphore_mem>>)
        %dma_wait3A_145 = arith.constant 0 : i32
        %dma_wait3A_146 = tpu.memref_slice %arg3[%add3A_37, %dma_wait3A_145] : memref<3200x128xi32, #tpu.memory_space<hbm>> -> memref<5x128xi32, #tpu.memory_space<hbm>>
        %dma_wait3A_147 = arith.constant 0 : i32
        %dma_wait3A_148 = tpu.memref_slice %arg3[%add3A_37, %dma_wait3A_147] : memref<3200x128xi32, #tpu.memory_space<hbm>> -> memref<5x128xi32, #tpu.memory_space<hbm>>
        tpu.wait_dma2 semaphore(%run_scoped3A : memref<!tpu.dma_semaphore, #tpu.memory_space<semaphore_mem>>) src(%dma_wait3A_148 : memref<5x128xi32, #tpu.memory_space<hbm>>) dst(%arg8 : memref<5x128xi32, #tpu.memory_space<vmem>>)
        tpu.yield
      }) : () -> ()
      %dma_start3A_38 = arith.constant 0 : i32
      %dma_start3A_39 = arith.constant 0 : i32
      %dma_start3A_40 = arith.constant 0 : i32
      %dma_start3A_41 = tpu.memref_slice %arg9[%dma_start3A_39, %dma_start3A_40] : memref<640x64xf32, #tpu.memory_space<vmem>> -> memref<128x64xf32, #tpu.memory_space<vmem>>
      %dma_start3A_42 = arith.constant 0 : i32
      %dma_start3A_43 = tpu.memref_slice %arg8[%dma_start3A_38, %dma_start3A_42] : memref<5x128xi32, #tpu.memory_space<vmem>> -> memref<1x128xi32, #tpu.memory_space<vmem>>
      %dma_start3A_44 = tpu.memref_squeeze %dma_start3A_43 : memref<1x128xi32, #tpu.memory_space<vmem>> -> memref<128xi32, #tpu.memory_space<vmem>>
      %dma_start3A_45 = arith.constant 0 : i32
      %dma_start3A_46 = arith.constant 0 : i32
      %dma_start3A_47 = tpu.memref_slice %arg2[%dma_start3A_45, %dma_start3A_46] : memref<100000x64xf32, #tpu.memory_space<hbm>> -> memref<100000x64xf32, #tpu.memory_space<hbm>>
      tpu.enqueue_indirect_dma source(%dma_start3A_47 : memref<100000x64xf32, #tpu.memory_space<hbm>>) target(%dma_start3A_41 : memref<128x64xf32, #tpu.memory_space<vmem>>) offsets(%dma_start3A_44 : memref<128xi32, #tpu.memory_space<vmem>>) semaphore(%arg12 : memref<!tpu.dma_semaphore, #tpu.memory_space<semaphore_mem>>)
      %dma_start3A_48 = arith.constant 1 : i32
      %dma_start3A_49 = arith.constant 128 : i32
      %dma_start3A_50 = arith.constant 0 : i32
      %dma_start3A_51 = tpu.memref_slice %arg9[%dma_start3A_49, %dma_start3A_50] : memref<640x64xf32, #tpu.memory_space<vmem>> -> memref<128x64xf32, #tpu.memory_space<vmem>>
      %dma_start3A_52 = arith.constant 0 : i32
      %dma_start3A_53 = tpu.memref_slice %arg8[%dma_start3A_48, %dma_start3A_52] : memref<5x128xi32, #tpu.memory_space<vmem>> -> memref<1x128xi32, #tpu.memory_space<vmem>>
      %dma_start3A_54 = tpu.memref_squeeze %dma_start3A_53 : memref<1x128xi32, #tpu.memory_space<vmem>> -> memref<128xi32, #tpu.memory_space<vmem>>
      %dma_start3A_55 = arith.constant 0 : i32
      %dma_start3A_56 = arith.constant 0 : i32
      %dma_start3A_57 = tpu.memref_slice %arg2[%dma_start3A_55, %dma_start3A_56] : memref<100000x64xf32, #tpu.memory_space<hbm>> -> memref<100000x64xf32, #tpu.memory_space<hbm>>
      tpu.enqueue_indirect_dma source(%dma_start3A_57 : memref<100000x64xf32, #tpu.memory_space<hbm>>) target(%dma_start3A_51 : memref<128x64xf32, #tpu.memory_space<vmem>>) offsets(%dma_start3A_54 : memref<128xi32, #tpu.memory_space<vmem>>) semaphore(%arg12 : memref<!tpu.dma_semaphore, #tpu.memory_space<semaphore_mem>>)
      %dma_start3A_58 = arith.constant 2 : i32
      %dma_start3A_59 = arith.constant 256 : i32
      %dma_start3A_60 = arith.constant 0 : i32
      %dma_start3A_61 = tpu.memref_slice %arg9[%dma_start3A_59, %dma_start3A_60] : memref<640x64xf32, #tpu.memory_space<vmem>> -> memref<128x64xf32, #tpu.memory_space<vmem>>
      %dma_start3A_62 = arith.constant 0 : i32
      %dma_start3A_63 = tpu.memref_slice %arg8[%dma_start3A_58, %dma_start3A_62] : memref<5x128xi32, #tpu.memory_space<vmem>> -> memref<1x128xi32, #tpu.memory_space<vmem>>
      %dma_start3A_64 = tpu.memref_squeeze %dma_start3A_63 : memref<1x128xi32, #tpu.memory_space<vmem>> -> memref<128xi32, #tpu.memory_space<vmem>>
      %dma_start3A_65 = arith.constant 0 : i32
      %dma_start3A_66 = arith.constant 0 : i32
      %dma_start3A_67 = tpu.memref_slice %arg2[%dma_start3A_65, %dma_start3A_66] : memref<100000x64xf32, #tpu.memory_space<hbm>> -> memref<100000x64xf32, #tpu.memory_space<hbm>>
      tpu.enqueue_indirect_dma source(%dma_start3A_67 : memref<100000x64xf32, #tpu.memory_space<hbm>>) target(%dma_start3A_61 : memref<128x64xf32, #tpu.memory_space<vmem>>) offsets(%dma_start3A_64 : memref<128xi32, #tpu.memory_space<vmem>>) semaphore(%arg12 : memref<!tpu.dma_semaphore, #tpu.memory_space<semaphore_mem>>)
      %dma_start3A_68 = arith.constant 3 : i32
      %dma_start3A_69 = arith.constant 384 : i32
      %dma_start3A_70 = arith.constant 0 : i32
      %dma_start3A_71 = tpu.memref_slice %arg9[%dma_start3A_69, %dma_start3A_70] : memref<640x64xf32, #tpu.memory_space<vmem>> -> memref<128x64xf32, #tpu.memory_space<vmem>>
      %dma_start3A_72 = arith.constant 0 : i32
      %dma_start3A_73 = tpu.memref_slice %arg8[%dma_start3A_68, %dma_start3A_72] : memref<5x128xi32, #tpu.memory_space<vmem>> -> memref<1x128xi32, #tpu.memory_space<vmem>>
      %dma_start3A_74 = tpu.memref_squeeze %dma_start3A_73 : memref<1x128xi32, #tpu.memory_space<vmem>> -> memref<128xi32, #tpu.memory_space<vmem>>
      %dma_start3A_75 = arith.constant 0 : i32
      %dma_start3A_76 = arith.constant 0 : i32
      %dma_start3A_77 = tpu.memref_slice %arg2[%dma_start3A_75, %dma_start3A_76] : memref<100000x64xf32, #tpu.memory_space<hbm>> -> memref<100000x64xf32, #tpu.memory_space<hbm>>
      tpu.enqueue_indirect_dma source(%dma_start3A_77 : memref<100000x64xf32, #tpu.memory_space<hbm>>) target(%dma_start3A_71 : memref<128x64xf32, #tpu.memory_space<vmem>>) offsets(%dma_start3A_74 : memref<128xi32, #tpu.memory_space<vmem>>) semaphore(%arg12 : memref<!tpu.dma_semaphore, #tpu.memory_space<semaphore_mem>>)
      %dma_start3A_78 = arith.constant 4 : i32
      %dma_start3A_79 = arith.constant 512 : i32
      %dma_start3A_80 = arith.constant 0 : i32
      %dma_start3A_81 = tpu.memref_slice %arg9[%dma_start3A_79, %dma_start3A_80] : memref<640x64xf32, #tpu.memory_space<vmem>> -> memref<128x64xf32, #tpu.memory_space<vmem>>
      %dma_start3A_82 = arith.constant 0 : i32
      %dma_start3A_83 = tpu.memref_slice %arg8[%dma_start3A_78, %dma_start3A_82] : memref<5x128xi32, #tpu.memory_space<vmem>> -> memref<1x128xi32, #tpu.memory_space<vmem>>
      %dma_start3A_84 = tpu.memref_squeeze %dma_start3A_83 : memref<1x128xi32, #tpu.memory_space<vmem>> -> memref<128xi32, #tpu.memory_space<vmem>>
      %dma_start3A_85 = arith.constant 0 : i32
      %dma_start3A_86 = arith.constant 0 : i32
      %dma_start3A_87 = tpu.memref_slice %arg2[%dma_start3A_85, %dma_start3A_86] : memref<100000x64xf32, #tpu.memory_space<hbm>> -> memref<100000x64xf32, #tpu.memory_space<hbm>>
      tpu.enqueue_indirect_dma source(%dma_start3A_87 : memref<100000x64xf32, #tpu.memory_space<hbm>>) target(%dma_start3A_81 : memref<128x64xf32, #tpu.memory_space<vmem>>) offsets(%dma_start3A_84 : memref<128xi32, #tpu.memory_space<vmem>>) semaphore(%arg12 : memref<!tpu.dma_semaphore, #tpu.memory_space<semaphore_mem>>)
      %dma_wait3A_88 = arith.constant 0 : i32
      %dma_wait3A_89 = arith.constant 0 : i32
      %dma_wait3A_90 = arith.constant 0 : i32
      %dma_wait3A_91 = tpu.memref_slice %arg9[%dma_wait3A_89, %dma_wait3A_90] : memref<640x64xf32, #tpu.memory_space<vmem>> -> memref<128x64xf32, #tpu.memory_space<vmem>>
      %dma_wait3A_92 = arith.constant 0 : i32
      %dma_wait3A_93 = tpu.memref_slice %arg8[%dma_wait3A_88, %dma_wait3A_92] : memref<5x128xi32, #tpu.memory_space<vmem>> -> memref<1x128xi32, #tpu.memory_space<vmem>>
      %dma_wait3A_94 = tpu.memref_squeeze %dma_wait3A_93 : memref<1x128xi32, #tpu.memory_space<vmem>> -> memref<128xi32, #tpu.memory_space<vmem>>
      %dma_wait3A_95 = arith.constant 0 : i32
      %dma_wait3A_96 = arith.constant 0 : i32
      %dma_wait3A_97 = tpu.memref_slice %arg2[%dma_wait3A_95, %dma_wait3A_96] : memref<100000x64xf32, #tpu.memory_space<hbm>> -> memref<100000x64xf32, #tpu.memory_space<hbm>>
      tpu.wait_indirect_dma semaphore(%arg12 : memref<!tpu.dma_semaphore, #tpu.memory_space<semaphore_mem>>) src(%dma_wait3A_97 : memref<100000x64xf32, #tpu.memory_space<hbm>>) dst(%dma_wait3A_91 : memref<128x64xf32, #tpu.memory_space<vmem>>)
      %dma_wait3A_98 = arith.constant 1 : i32
      %dma_wait3A_99 = arith.constant 128 : i32
      %dma_wait3A_100 = arith.constant 0 : i32
      %dma_wait3A_101 = tpu.memref_slice %arg9[%dma_wait3A_99, %dma_wait3A_100] : memref<640x64xf32, #tpu.memory_space<vmem>> -> memref<128x64xf32, #tpu.memory_space<vmem>>
      %dma_wait3A_102 = arith.constant 0 : i32
      %dma_wait3A_103 = tpu.memref_slice %arg8[%dma_wait3A_98, %dma_wait3A_102] : memref<5x128xi32, #tpu.memory_space<vmem>> -> memref<1x128xi32, #tpu.memory_space<vmem>>
      %dma_wait3A_104 = tpu.memref_squeeze %dma_wait3A_103 : memref<1x128xi32, #tpu.memory_space<vmem>> -> memref<128xi32, #tpu.memory_space<vmem>>
      %dma_wait3A_105 = arith.constant 0 : i32
      %dma_wait3A_106 = arith.constant 0 : i32
      %dma_wait3A_107 = tpu.memref_slice %arg2[%dma_wait3A_105, %dma_wait3A_106] : memref<100000x64xf32, #tpu.memory_space<hbm>> -> memref<100000x64xf32, #tpu.memory_space<hbm>>
      tpu.wait_indirect_dma semaphore(%arg12 : memref<!tpu.dma_semaphore, #tpu.memory_space<semaphore_mem>>) src(%dma_wait3A_107 : memref<100000x64xf32, #tpu.memory_space<hbm>>) dst(%dma_wait3A_101 : memref<128x64xf32, #tpu.memory_space<vmem>>)
      %dma_wait3A_108 = arith.constant 2 : i32
      %dma_wait3A_109 = arith.constant 256 : i32
      %dma_wait3A_110 = arith.constant 0 : i32
      %dma_wait3A_111 = tpu.memref_slice %arg9[%dma_wait3A_109, %dma_wait3A_110] : memref<640x64xf32, #tpu.memory_space<vmem>> -> memref<128x64xf32, #tpu.memory_space<vmem>>
      %dma_wait3A_112 = arith.constant 0 : i32
      %dma_wait3A_113 = tpu.memref_slice %arg8[%dma_wait3A_108, %dma_wait3A_112] : memref<5x128xi32, #tpu.memory_space<vmem>> -> memref<1x128xi32, #tpu.memory_space<vmem>>
      %dma_wait3A_114 = tpu.memref_squeeze %dma_wait3A_113 : memref<1x128xi32, #tpu.memory_space<vmem>> -> memref<128xi32, #tpu.memory_space<vmem>>
      %dma_wait3A_115 = arith.constant 0 : i32
      %dma_wait3A_116 = arith.constant 0 : i32
      %dma_wait3A_117 = tpu.memref_slice %arg2[%dma_wait3A_115, %dma_wait3A_116] : memref<100000x64xf32, #tpu.memory_space<hbm>> -> memref<100000x64xf32, #tpu.memory_space<hbm>>
      tpu.wait_indirect_dma semaphore(%arg12 : memref<!tpu.dma_semaphore, #tpu.memory_space<semaphore_mem>>) src(%dma_wait3A_117 : memref<100000x64xf32, #tpu.memory_space<hbm>>) dst(%dma_wait3A_111 : memref<128x64xf32, #tpu.memory_space<vmem>>)
      %dma_wait3A_118 = arith.constant 3 : i32
      %dma_wait3A_119 = arith.constant 384 : i32
      %dma_wait3A_120 = arith.constant 0 : i32
      %dma_wait3A_121 = tpu.memref_slice %arg9[%dma_wait3A_119, %dma_wait3A_120] : memref<640x64xf32, #tpu.memory_space<vmem>> -> memref<128x64xf32, #tpu.memory_space<vmem>>
      %dma_wait3A_122 = arith.constant 0 : i32
      %dma_wait3A_123 = tpu.memref_slice %arg8[%dma_wait3A_118, %dma_wait3A_122] : memref<5x128xi32, #tpu.memory_space<vmem>> -> memref<1x128xi32, #tpu.memory_space<vmem>>
      %dma_wait3A_124 = tpu.memref_squeeze %dma_wait3A_123 : memref<1x128xi32, #tpu.memory_space<vmem>> -> memref<128xi32, #tpu.memory_space<vmem>>
      %dma_wait3A_125 = arith.constant 0 : i32
      %dma_wait3A_126 = arith.constant 0 : i32
      %dma_wait3A_127 = tpu.memref_slice %arg2[%dma_wait3A_125, %dma_wait3A_126] : memref<100000x64xf32, #tpu.memory_space<hbm>> -> memref<100000x64xf32, #tpu.memory_space<hbm>>
      tpu.wait_indirect_dma semaphore(%arg12 : memref<!tpu.dma_semaphore, #tpu.memory_space<semaphore_mem>>) src(%dma_wait3A_127 : memref<100000x64xf32, #tpu.memory_space<hbm>>) dst(%dma_wait3A_121 : memref<128x64xf32, #tpu.memory_space<vmem>>)
      %dma_wait3A_128 = arith.constant 4 : i32
      %dma_wait3A_129 = arith.constant 512 : i32
      %dma_wait3A_130 = arith.constant 0 : i32
      %dma_wait3A_131 = tpu.memref_slice %arg9[%dma_wait3A_129, %dma_wait3A_130] : memref<640x64xf32, #tpu.memory_space<vmem>> -> memref<128x64xf32, #tpu.memory_space<vmem>>
      %dma_wait3A_132 = arith.constant 0 : i32
      %dma_wait3A_133 = tpu.memref_slice %arg8[%dma_wait3A_128, %dma_wait3A_132] : memref<5x128xi32, #tpu.memory_space<vmem>> -> memref<1x128xi32, #tpu.memory_space<vmem>>
      %dma_wait3A_134 = tpu.memref_squeeze %dma_wait3A_133 : memref<1x128xi32, #tpu.memory_space<vmem>> -> memref<128xi32, #tpu.memory_space<vmem>>
      %dma_wait3A_135 = arith.constant 0 : i32
      %dma_wait3A_136 = arith.constant 0 : i32
      %dma_wait3A_137 = tpu.memref_slice %arg2[%dma_wait3A_135, %dma_wait3A_136] : memref<100000x64xf32, #tpu.memory_space<hbm>> -> memref<100000x64xf32, #tpu.memory_space<hbm>>
      tpu.wait_indirect_dma semaphore(%arg12 : memref<!tpu.dma_semaphore, #tpu.memory_space<semaphore_mem>>) src(%dma_wait3A_137 : memref<100000x64xf32, #tpu.memory_space<hbm>>) dst(%dma_wait3A_131 : memref<128x64xf32, #tpu.memory_space<vmem>>)
      %mul3A_138 = arith.constant 640 : i32
      %mul3A_139 = arith.muli %scan3A_34, %mul3A_138 : i32
      %add3A_140 = arith.addi %mul3A_23, %mul3A_139 : i32
      "tpu.region"() ({
        %run_scoped3A = tpu.sem_alloc : memref<!tpu.dma_semaphore, #tpu.memory_space<semaphore_mem>>
        %dma_start3A_141 = arith.constant 64 : i32
        %dma_start3A_142 = tpu.memref_slice %arg6[%add3A_140, %dma_start3A_141] : memref<204800x128xf32, #tpu.memory_space<hbm>> -> memref<640x64xf32, #tpu.memory_space<hbm>>
        %dma_start3A_143 = arith.constant 64 : i32
        %dma_start3A_144 = tpu.memref_slice %arg6[%add3A_140, %dma_start3A_143] : memref<204800x128xf32, #tpu.memory_space<hbm>> -> memref<640x64xf32, #tpu.memory_space<hbm>>
        tpu.enqueue_dma source(%arg9 : memref<640x64xf32, #tpu.memory_space<vmem>>) target(%dma_start3A_144 : memref<640x64xf32, #tpu.memory_space<hbm>>) target_semaphore(%run_scoped3A : memref<!tpu.dma_semaphore, #tpu.memory_space<semaphore_mem>>)
        %dma_wait3A_145 = arith.constant 64 : i32
        %dma_wait3A_146 = tpu.memref_slice %arg6[%add3A_140, %dma_wait3A_145] : memref<204800x128xf32, #tpu.memory_space<hbm>> -> memref<640x64xf32, #tpu.memory_space<hbm>>
        %dma_wait3A_147 = arith.constant 64 : i32
        %dma_wait3A_148 = tpu.memref_slice %arg6[%add3A_140, %dma_wait3A_147] : memref<204800x128xf32, #tpu.memory_space<hbm>> -> memref<640x64xf32, #tpu.memory_space<hbm>>
        tpu.wait_dma2 semaphore(%run_scoped3A : memref<!tpu.dma_semaphore, #tpu.memory_space<semaphore_mem>>) src(%arg9 : memref<640x64xf32, #tpu.memory_space<vmem>>) dst(%dma_wait3A_148 : memref<640x64xf32, #tpu.memory_space<hbm>>)
        tpu.yield
      }) : () -> ()
    }
    %scan3A_33 = arith.constant 10 : i32
    return
  }
}

module attributes {stable_mosaic.version = 14 : i64} {
  func.func @_tc_body(%arg0: i32, %arg1: memref<32x128xf32, #tpu.memory_space<vmem>>, %arg2: memref<6400x128xf32, #tpu.memory_space<vmem>>, %arg3: memref<64x200xf32, #tpu.memory_space<vmem>>, %arg4: memref<64x200xf32, #tpu.memory_space<vmem>>, %arg5: memref<1x12800xi32, #tpu.memory_space<vmem>>, %arg6: memref<64x64xf32, #tpu.memory_space<vmem>>, %arg7: memref<1x64xf32, #tpu.memory_space<vmem>>, %arg8: memref<64x64xf32, #tpu.memory_space<vmem>>, %arg9: memref<1x64xf32, #tpu.memory_space<vmem>>, %arg10: memref<64x1xf32, #tpu.memory_space<vmem>>, %arg11: memref<1x1xf32, #tpu.memory_space<vmem>>, %arg12: memref<1x1xf32, #tpu.memory_space<vmem>>) attributes {dimension_semantics = [#tpu.dimension_semantics<arbitrary>], iteration_bounds = array<i64: 32>, scalar_prefetch = 0 : i64, scratch_operands = 0 : i64, tpu.core_type = #tpu.core_type<tc>, window_params = [{transform_indices = @transform_0, window_bounds = array<i64: 32, 128>}, {transform_indices = @transform_1, window_bounds = array<i64: 6400, 128>}, {transform_indices = @transform_2, window_bounds = array<i64: 64, 200>}, {transform_indices = @transform_3, window_bounds = array<i64: 64, 200>}, {pipeline_mode = #tpu.pipeline_mode<synchronous>, transform_indices = @transform_4, window_bounds = array<i64: 1, 12800>}, {pipeline_mode = #tpu.pipeline_mode<synchronous>, transform_indices = @transform_5, window_bounds = array<i64: 64, 64>}, {pipeline_mode = #tpu.pipeline_mode<synchronous>, transform_indices = @transform_6, window_bounds = array<i64: 1, 64>}, {pipeline_mode = #tpu.pipeline_mode<synchronous>, transform_indices = @transform_7, window_bounds = array<i64: 64, 64>}, {pipeline_mode = #tpu.pipeline_mode<synchronous>, transform_indices = @transform_8, window_bounds = array<i64: 1, 64>}, {pipeline_mode = #tpu.pipeline_mode<synchronous>, transform_indices = @transform_9, window_bounds = array<i64: 64, 1>}, {pipeline_mode = #tpu.pipeline_mode<synchronous>, transform_indices = @transform_10, window_bounds = array<i64: 1, 1>}, {pipeline_mode = #tpu.pipeline_mode<synchronous>, transform_indices = @transform_11, window_bounds = array<i64: 1, 1>}]} {
    %get3A = arith.constant 0 : index
    %get3A_0 = arith.constant 0 : index
    %get3A_1 = vector.load %arg1[%get3A, %get3A_0] : memref<32x128xf32, #tpu.memory_space<vmem>>, vector<32x128xf32>
    %slice3A = vector.extract_strided_slice %get3A_1 {offsets = [0, 0], sizes = [32, 64], strides = [1, 1]} : vector<32x128xf32> to vector<32x64xf32>
    %slice3A_2 = vector.extract_strided_slice %get3A_1 {offsets = [0, 64], sizes = [32, 64], strides = [1, 1]} : vector<32x128xf32> to vector<32x64xf32>
    %concatenate3A = tpu.concatenate %slice3A, %slice3A_2 in 0 : vector<32x64xf32>, vector<32x64xf32> -> vector<64x64xf32>
    %get3A_3 = arith.constant 0 : index
    %get3A_4 = arith.constant 0 : index
    %get3A_5 = vector.load %arg6[%get3A_3, %get3A_4] : memref<64x64xf32, #tpu.memory_space<vmem>>, vector<64x64xf32>
    %dot_general3A = arith.constant dense<0.000000e+00> : vector<64x64xf32>
    %dot_general3A_6 = tpu.matmul %concatenate3A, %get3A_5, %dot_general3A {dimension_numbers = #tpu.dot_dimension_numbers<[1], [0], [0], [1], [0, 0, 1, 1], [], []>, transpose_lhs_hint = false} : vector<64x64xf32>, vector<64x64xf32>, vector<64x64xf32> -> vector<64x64xf32>
    %get3A_7 = arith.constant 0 : index
    %get3A_8 = arith.constant 0 : index
    %get3A_9 = vector.load %arg7[%get3A_7, %get3A_8] : memref<1x64xf32, #tpu.memory_space<vmem>>, vector<1x64xf32>
    %add3A = vector.broadcast %get3A_9 : vector<1x64xf32> to vector<64x64xf32>
    %add3A_10 = arith.addf %dot_general3A_6, %add3A : vector<64x64xf32>
    %get3A_11 = arith.constant 0 : index
    %get3A_12 = arith.constant 0 : index
    %get3A_13 = vector.load %arg2[%get3A_11, %get3A_12] : memref<6400x128xf32, #tpu.memory_space<vmem>>, vector<6400x128xf32>
    %get3A_14 = arith.constant 0 : index
    %get3A_15 = arith.constant 0 : index
    %get3A_16 = vector.load %arg8[%get3A_14, %get3A_15] : memref<64x64xf32, #tpu.memory_space<vmem>>, vector<64x64xf32>
    %slice3A_17 = vector.extract_strided_slice %get3A_13 {offsets = [0, 0], sizes = [6400, 64], strides = [1, 1]} : vector<6400x128xf32> to vector<6400x64xf32>
    %dot_general3A_18 = arith.constant dense<0.000000e+00> : vector<64x6400xf32>
    %dot_general3A_19 = tpu.matmul %get3A_16, %slice3A_17, %dot_general3A_18 {dimension_numbers = #tpu.dot_dimension_numbers<[1], [1], [0], [0], [0, 0, 1, 0], [], []>, transpose_lhs_hint = false} : vector<64x64xf32>, vector<6400x64xf32>, vector<64x6400xf32> -> vector<64x6400xf32>
    %slice3A_20 = vector.extract_strided_slice %get3A_13 {offsets = [0, 64], sizes = [6400, 64], strides = [1, 1]} : vector<6400x128xf32> to vector<6400x64xf32>
    %dot_general3A_21 = arith.constant dense<0.000000e+00> : vector<64x6400xf32>
    %dot_general3A_22 = tpu.matmul %get3A_16, %slice3A_20, %dot_general3A_21 {dimension_numbers = #tpu.dot_dimension_numbers<[1], [1], [0], [0], [0, 0, 1, 0], [], []>, transpose_lhs_hint = false} : vector<64x64xf32>, vector<6400x64xf32>, vector<64x6400xf32> -> vector<64x6400xf32>
    %concatenate3A_23 = tpu.concatenate %dot_general3A_19, %dot_general3A_22 in 1 : vector<64x6400xf32>, vector<64x6400xf32> -> vector<64x12800xf32>
    %get3A_24 = arith.constant 0 : index
    %get3A_25 = arith.constant 0 : index
    %get3A_26 = vector.load %arg9[%get3A_24, %get3A_25] : memref<1x64xf32, #tpu.memory_space<vmem>>, vector<1x64xf32>
    %sub3A = vector.broadcast %get3A_26 : vector<1x64xf32> to vector<64x64xf32>
    %sub3A_27 = arith.subf %add3A_10, %sub3A : vector<64x64xf32>
    %transpose3A = tpu.transpose %sub3A_27, [1, 0] : vector<64x64xf32> -> vector<64x64xf32>
    %iota3A = tpu.iota {dimensions = array<i32: 0>} : vector<64x12800xi32>
    %get3A_28 = arith.constant 0 : index
    %get3A_29 = arith.constant 0 : index
    %get3A_30 = vector.load %arg5[%get3A_28, %get3A_29] : memref<1x12800xi32, #tpu.memory_space<vmem>>, vector<1x12800xi32>
    %eq3A = vector.broadcast %get3A_30 : vector<1x12800xi32> to vector<64x12800xi32>
    %eq3A_31 = arith.cmpi eq, %eq3A, %iota3A : vector<64x12800xi32>
    %convert_element_type3A = arith.extui %eq3A_31 : vector<64x12800xi1> to vector<64x12800xi32>
    %convert_element_type3A_32 = arith.sitofp %convert_element_type3A : vector<64x12800xi32> to vector<64x12800xf32>
    %dot_general3A_33 = arith.constant dense<0.000000e+00> : vector<64x12800xf32>
    %dot_general3A_34 = tpu.matmul %transpose3A, %convert_element_type3A_32, %dot_general3A_33 {dimension_numbers = #tpu.dot_dimension_numbers<[1], [0], [0], [1], [0, 0, 1, 1], [], []>, transpose_lhs_hint = false} : vector<64x64xf32>, vector<64x12800xf32>, vector<64x12800xf32> -> vector<64x12800xf32>
    %sub3A_35 = arith.subf %dot_general3A_34, %concatenate3A_23 : vector<64x12800xf32>
    %mul3A = arith.mulf %sub3A_35, %sub3A_35 : vector<64x12800xf32>
    %reduce_sum3A = arith.constant dense<0.000000e+00> : vector<12800xf32>
    %reduce_sum3A_36 = vector.multi_reduction <add>, %mul3A, %reduce_sum3A [0] : vector<64x12800xf32> to vector<12800xf32>
    %broadcast_in_dim3A = vector.shape_cast %reduce_sum3A_36 : vector<12800xf32> to vector<1x12800xf32>
    %slice3A_37 = vector.extract_strided_slice %broadcast_in_dim3A {offsets = [0, 0], sizes = [1, 200], strides = [1, 1]} : vector<1x12800xf32> to vector<1x200xf32>
    %slice3A_38 = vector.extract_strided_slice %broadcast_in_dim3A {offsets = [0, 200], sizes = [1, 200], strides = [1, 1]} : vector<1x12800xf32> to vector<1x200xf32>
    %slice3A_39 = vector.extract_strided_slice %broadcast_in_dim3A {offsets = [0, 400], sizes = [1, 200], strides = [1, 1]} : vector<1x12800xf32> to vector<1x200xf32>
    %slice3A_40 = vector.extract_strided_slice %broadcast_in_dim3A {offsets = [0, 600], sizes = [1, 200], strides = [1, 1]} : vector<1x12800xf32> to vector<1x200xf32>
    %slice3A_41 = vector.extract_strided_slice %broadcast_in_dim3A {offsets = [0, 800], sizes = [1, 200], strides = [1, 1]} : vector<1x12800xf32> to vector<1x200xf32>
    %slice3A_42 = vector.extract_strided_slice %broadcast_in_dim3A {offsets = [0, 1000], sizes = [1, 200], strides = [1, 1]} : vector<1x12800xf32> to vector<1x200xf32>
    %slice3A_43 = vector.extract_strided_slice %broadcast_in_dim3A {offsets = [0, 1200], sizes = [1, 200], strides = [1, 1]} : vector<1x12800xf32> to vector<1x200xf32>
    %slice3A_44 = vector.extract_strided_slice %broadcast_in_dim3A {offsets = [0, 1400], sizes = [1, 200], strides = [1, 1]} : vector<1x12800xf32> to vector<1x200xf32>
    %slice3A_45 = vector.extract_strided_slice %broadcast_in_dim3A {offsets = [0, 1600], sizes = [1, 200], strides = [1, 1]} : vector<1x12800xf32> to vector<1x200xf32>
    %slice3A_46 = vector.extract_strided_slice %broadcast_in_dim3A {offsets = [0, 1800], sizes = [1, 200], strides = [1, 1]} : vector<1x12800xf32> to vector<1x200xf32>
    %slice3A_47 = vector.extract_strided_slice %broadcast_in_dim3A {offsets = [0, 2000], sizes = [1, 200], strides = [1, 1]} : vector<1x12800xf32> to vector<1x200xf32>
    %slice3A_48 = vector.extract_strided_slice %broadcast_in_dim3A {offsets = [0, 2200], sizes = [1, 200], strides = [1, 1]} : vector<1x12800xf32> to vector<1x200xf32>
    %slice3A_49 = vector.extract_strided_slice %broadcast_in_dim3A {offsets = [0, 2400], sizes = [1, 200], strides = [1, 1]} : vector<1x12800xf32> to vector<1x200xf32>
    %slice3A_50 = vector.extract_strided_slice %broadcast_in_dim3A {offsets = [0, 2600], sizes = [1, 200], strides = [1, 1]} : vector<1x12800xf32> to vector<1x200xf32>
    %slice3A_51 = vector.extract_strided_slice %broadcast_in_dim3A {offsets = [0, 2800], sizes = [1, 200], strides = [1, 1]} : vector<1x12800xf32> to vector<1x200xf32>
    %slice3A_52 = vector.extract_strided_slice %broadcast_in_dim3A {offsets = [0, 3000], sizes = [1, 200], strides = [1, 1]} : vector<1x12800xf32> to vector<1x200xf32>
    %slice3A_53 = vector.extract_strided_slice %broadcast_in_dim3A {offsets = [0, 3200], sizes = [1, 200], strides = [1, 1]} : vector<1x12800xf32> to vector<1x200xf32>
    %slice3A_54 = vector.extract_strided_slice %broadcast_in_dim3A {offsets = [0, 3400], sizes = [1, 200], strides = [1, 1]} : vector<1x12800xf32> to vector<1x200xf32>
    %slice3A_55 = vector.extract_strided_slice %broadcast_in_dim3A {offsets = [0, 3600], sizes = [1, 200], strides = [1, 1]} : vector<1x12800xf32> to vector<1x200xf32>
    %slice3A_56 = vector.extract_strided_slice %broadcast_in_dim3A {offsets = [0, 3800], sizes = [1, 200], strides = [1, 1]} : vector<1x12800xf32> to vector<1x200xf32>
    %slice3A_57 = vector.extract_strided_slice %broadcast_in_dim3A {offsets = [0, 4000], sizes = [1, 200], strides = [1, 1]} : vector<1x12800xf32> to vector<1x200xf32>
    %slice3A_58 = vector.extract_strided_slice %broadcast_in_dim3A {offsets = [0, 4200], sizes = [1, 200], strides = [1, 1]} : vector<1x12800xf32> to vector<1x200xf32>
    %slice3A_59 = vector.extract_strided_slice %broadcast_in_dim3A {offsets = [0, 4400], sizes = [1, 200], strides = [1, 1]} : vector<1x12800xf32> to vector<1x200xf32>
    %slice3A_60 = vector.extract_strided_slice %broadcast_in_dim3A {offsets = [0, 4600], sizes = [1, 200], strides = [1, 1]} : vector<1x12800xf32> to vector<1x200xf32>
    %slice3A_61 = vector.extract_strided_slice %broadcast_in_dim3A {offsets = [0, 4800], sizes = [1, 200], strides = [1, 1]} : vector<1x12800xf32> to vector<1x200xf32>
    %slice3A_62 = vector.extract_strided_slice %broadcast_in_dim3A {offsets = [0, 5000], sizes = [1, 200], strides = [1, 1]} : vector<1x12800xf32> to vector<1x200xf32>
    %slice3A_63 = vector.extract_strided_slice %broadcast_in_dim3A {offsets = [0, 5200], sizes = [1, 200], strides = [1, 1]} : vector<1x12800xf32> to vector<1x200xf32>
    %slice3A_64 = vector.extract_strided_slice %broadcast_in_dim3A {offsets = [0, 5400], sizes = [1, 200], strides = [1, 1]} : vector<1x12800xf32> to vector<1x200xf32>
    %slice3A_65 = vector.extract_strided_slice %broadcast_in_dim3A {offsets = [0, 5600], sizes = [1, 200], strides = [1, 1]} : vector<1x12800xf32> to vector<1x200xf32>
    %slice3A_66 = vector.extract_strided_slice %broadcast_in_dim3A {offsets = [0, 5800], sizes = [1, 200], strides = [1, 1]} : vector<1x12800xf32> to vector<1x200xf32>
    %slice3A_67 = vector.extract_strided_slice %broadcast_in_dim3A {offsets = [0, 6000], sizes = [1, 200], strides = [1, 1]} : vector<1x12800xf32> to vector<1x200xf32>
    %slice3A_68 = vector.extract_strided_slice %broadcast_in_dim3A {offsets = [0, 6200], sizes = [1, 200], strides = [1, 1]} : vector<1x12800xf32> to vector<1x200xf32>
    %slice3A_69 = vector.extract_strided_slice %broadcast_in_dim3A {offsets = [0, 6400], sizes = [1, 200], strides = [1, 1]} : vector<1x12800xf32> to vector<1x200xf32>
    %slice3A_70 = vector.extract_strided_slice %broadcast_in_dim3A {offsets = [0, 6600], sizes = [1, 200], strides = [1, 1]} : vector<1x12800xf32> to vector<1x200xf32>
    %slice3A_71 = vector.extract_strided_slice %broadcast_in_dim3A {offsets = [0, 6800], sizes = [1, 200], strides = [1, 1]} : vector<1x12800xf32> to vector<1x200xf32>
    %slice3A_72 = vector.extract_strided_slice %broadcast_in_dim3A {offsets = [0, 7000], sizes = [1, 200], strides = [1, 1]} : vector<1x12800xf32> to vector<1x200xf32>
    %slice3A_73 = vector.extract_strided_slice %broadcast_in_dim3A {offsets = [0, 7200], sizes = [1, 200], strides = [1, 1]} : vector<1x12800xf32> to vector<1x200xf32>
    %slice3A_74 = vector.extract_strided_slice %broadcast_in_dim3A {offsets = [0, 7400], sizes = [1, 200], strides = [1, 1]} : vector<1x12800xf32> to vector<1x200xf32>
    %slice3A_75 = vector.extract_strided_slice %broadcast_in_dim3A {offsets = [0, 7600], sizes = [1, 200], strides = [1, 1]} : vector<1x12800xf32> to vector<1x200xf32>
    %slice3A_76 = vector.extract_strided_slice %broadcast_in_dim3A {offsets = [0, 7800], sizes = [1, 200], strides = [1, 1]} : vector<1x12800xf32> to vector<1x200xf32>
    %slice3A_77 = vector.extract_strided_slice %broadcast_in_dim3A {offsets = [0, 8000], sizes = [1, 200], strides = [1, 1]} : vector<1x12800xf32> to vector<1x200xf32>
    %slice3A_78 = vector.extract_strided_slice %broadcast_in_dim3A {offsets = [0, 8200], sizes = [1, 200], strides = [1, 1]} : vector<1x12800xf32> to vector<1x200xf32>
    %slice3A_79 = vector.extract_strided_slice %broadcast_in_dim3A {offsets = [0, 8400], sizes = [1, 200], strides = [1, 1]} : vector<1x12800xf32> to vector<1x200xf32>
    %slice3A_80 = vector.extract_strided_slice %broadcast_in_dim3A {offsets = [0, 8600], sizes = [1, 200], strides = [1, 1]} : vector<1x12800xf32> to vector<1x200xf32>
    %slice3A_81 = vector.extract_strided_slice %broadcast_in_dim3A {offsets = [0, 8800], sizes = [1, 200], strides = [1, 1]} : vector<1x12800xf32> to vector<1x200xf32>
    %slice3A_82 = vector.extract_strided_slice %broadcast_in_dim3A {offsets = [0, 9000], sizes = [1, 200], strides = [1, 1]} : vector<1x12800xf32> to vector<1x200xf32>
    %slice3A_83 = vector.extract_strided_slice %broadcast_in_dim3A {offsets = [0, 9200], sizes = [1, 200], strides = [1, 1]} : vector<1x12800xf32> to vector<1x200xf32>
    %slice3A_84 = vector.extract_strided_slice %broadcast_in_dim3A {offsets = [0, 9400], sizes = [1, 200], strides = [1, 1]} : vector<1x12800xf32> to vector<1x200xf32>
    %slice3A_85 = vector.extract_strided_slice %broadcast_in_dim3A {offsets = [0, 9600], sizes = [1, 200], strides = [1, 1]} : vector<1x12800xf32> to vector<1x200xf32>
    %slice3A_86 = vector.extract_strided_slice %broadcast_in_dim3A {offsets = [0, 9800], sizes = [1, 200], strides = [1, 1]} : vector<1x12800xf32> to vector<1x200xf32>
    %slice3A_87 = vector.extract_strided_slice %broadcast_in_dim3A {offsets = [0, 10000], sizes = [1, 200], strides = [1, 1]} : vector<1x12800xf32> to vector<1x200xf32>
    %slice3A_88 = vector.extract_strided_slice %broadcast_in_dim3A {offsets = [0, 10200], sizes = [1, 200], strides = [1, 1]} : vector<1x12800xf32> to vector<1x200xf32>
    %slice3A_89 = vector.extract_strided_slice %broadcast_in_dim3A {offsets = [0, 10400], sizes = [1, 200], strides = [1, 1]} : vector<1x12800xf32> to vector<1x200xf32>
    %slice3A_90 = vector.extract_strided_slice %broadcast_in_dim3A {offsets = [0, 10600], sizes = [1, 200], strides = [1, 1]} : vector<1x12800xf32> to vector<1x200xf32>
    %slice3A_91 = vector.extract_strided_slice %broadcast_in_dim3A {offsets = [0, 10800], sizes = [1, 200], strides = [1, 1]} : vector<1x12800xf32> to vector<1x200xf32>
    %slice3A_92 = vector.extract_strided_slice %broadcast_in_dim3A {offsets = [0, 11000], sizes = [1, 200], strides = [1, 1]} : vector<1x12800xf32> to vector<1x200xf32>
    %slice3A_93 = vector.extract_strided_slice %broadcast_in_dim3A {offsets = [0, 11200], sizes = [1, 200], strides = [1, 1]} : vector<1x12800xf32> to vector<1x200xf32>
    %slice3A_94 = vector.extract_strided_slice %broadcast_in_dim3A {offsets = [0, 11400], sizes = [1, 200], strides = [1, 1]} : vector<1x12800xf32> to vector<1x200xf32>
    %slice3A_95 = vector.extract_strided_slice %broadcast_in_dim3A {offsets = [0, 11600], sizes = [1, 200], strides = [1, 1]} : vector<1x12800xf32> to vector<1x200xf32>
    %slice3A_96 = vector.extract_strided_slice %broadcast_in_dim3A {offsets = [0, 11800], sizes = [1, 200], strides = [1, 1]} : vector<1x12800xf32> to vector<1x200xf32>
    %slice3A_97 = vector.extract_strided_slice %broadcast_in_dim3A {offsets = [0, 12000], sizes = [1, 200], strides = [1, 1]} : vector<1x12800xf32> to vector<1x200xf32>
    %slice3A_98 = vector.extract_strided_slice %broadcast_in_dim3A {offsets = [0, 12200], sizes = [1, 200], strides = [1, 1]} : vector<1x12800xf32> to vector<1x200xf32>
    %slice3A_99 = vector.extract_strided_slice %broadcast_in_dim3A {offsets = [0, 12400], sizes = [1, 200], strides = [1, 1]} : vector<1x12800xf32> to vector<1x200xf32>
    %slice3A_100 = vector.extract_strided_slice %broadcast_in_dim3A {offsets = [0, 12600], sizes = [1, 200], strides = [1, 1]} : vector<1x12800xf32> to vector<1x200xf32>
    %concatenate3A_101 = tpu.concatenate %slice3A_37, %slice3A_38, %slice3A_39, %slice3A_40, %slice3A_41, %slice3A_42, %slice3A_43, %slice3A_44, %slice3A_45, %slice3A_46, %slice3A_47, %slice3A_48, %slice3A_49, %slice3A_50, %slice3A_51, %slice3A_52, %slice3A_53, %slice3A_54, %slice3A_55, %slice3A_56, %slice3A_57, %slice3A_58, %slice3A_59, %slice3A_60, %slice3A_61, %slice3A_62, %slice3A_63, %slice3A_64, %slice3A_65, %slice3A_66, %slice3A_67, %slice3A_68, %slice3A_69, %slice3A_70, %slice3A_71, %slice3A_72, %slice3A_73, %slice3A_74, %slice3A_75, %slice3A_76, %slice3A_77, %slice3A_78, %slice3A_79, %slice3A_80, %slice3A_81, %slice3A_82, %slice3A_83, %slice3A_84, %slice3A_85, %slice3A_86, %slice3A_87, %slice3A_88, %slice3A_89, %slice3A_90, %slice3A_91, %slice3A_92, %slice3A_93, %slice3A_94, %slice3A_95, %slice3A_96, %slice3A_97, %slice3A_98, %slice3A_99, %slice3A_100 in 0 : vector<1x200xf32>, vector<1x200xf32>, vector<1x200xf32>, vector<1x200xf32>, vector<1x200xf32>, vector<1x200xf32>, vector<1x200xf32>, vector<1x200xf32>, vector<1x200xf32>, vector<1x200xf32>, vector<1x200xf32>, vector<1x200xf32>, vector<1x200xf32>, vector<1x200xf32>, vector<1x200xf32>, vector<1x200xf32>, vector<1x200xf32>, vector<1x200xf32>, vector<1x200xf32>, vector<1x200xf32>, vector<1x200xf32>, vector<1x200xf32>, vector<1x200xf32>, vector<1x200xf32>, vector<1x200xf32>, vector<1x200xf32>, vector<1x200xf32>, vector<1x200xf32>, vector<1x200xf32>, vector<1x200xf32>, vector<1x200xf32>, vector<1x200xf32>, vector<1x200xf32>, vector<1x200xf32>, vector<1x200xf32>, vector<1x200xf32>, vector<1x200xf32>, vector<1x200xf32>, vector<1x200xf32>, vector<1x200xf32>, vector<1x200xf32>, vector<1x200xf32>, vector<1x200xf32>, vector<1x200xf32>, vector<1x200xf32>, vector<1x200xf32>, vector<1x200xf32>, vector<1x200xf32>, vector<1x200xf32>, vector<1x200xf32>, vector<1x200xf32>, vector<1x200xf32>, vector<1x200xf32>, vector<1x200xf32>, vector<1x200xf32>, vector<1x200xf32>, vector<1x200xf32>, vector<1x200xf32>, vector<1x200xf32>, vector<1x200xf32>, vector<1x200xf32>, vector<1x200xf32>, vector<1x200xf32>, vector<1x200xf32> -> vector<64x200xf32>
    %add3A_102 = arith.constant 9.99999996E-13 : f32
    %add3A_103 = vector.broadcast %add3A_102 : f32 to vector<64x200xf32>
    %add3A_104 = arith.addf %concatenate3A_101, %add3A_103 : vector<64x200xf32>
    %sqrt3A = math.sqrt %add3A_104 : vector<64x200xf32>
    %get3A_105 = arith.constant 0 : index
    %get3A_106 = arith.constant 0 : index
    %get3A_107 = vector.load %arg10[%get3A_105, %get3A_106] : memref<64x1xf32, #tpu.memory_space<vmem>>, vector<64x1xf32>
    %add3A_108 = vector.broadcast %get3A_107 : vector<64x1xf32> to vector<64x12800xf32>
    %add3A_109 = arith.addf %concatenate3A_23, %add3A_108 : vector<64x12800xf32>
    %exp3A = math.exp %sqrt3A : vector<64x200xf32>
    %reduce_sum3A_110 = arith.constant dense<0.000000e+00> : vector<64xf32>
    %reduce_sum3A_111 = vector.multi_reduction <add>, %exp3A, %reduce_sum3A_110 [1] : vector<64x200xf32> to vector<64xf32>
    %broadcast_in_dim3A_112 = vector.shape_cast %reduce_sum3A_111 : vector<64xf32> to vector<64x1xf32>
    %get3A_113 = arith.constant 0 : index
    %get3A_114 = arith.constant 0 : index
    %get3A_115 = vector.load %arg4[%get3A_113, %get3A_114] : memref<64x200xf32, #tpu.memory_space<vmem>>, vector<64x200xf32>
    %add3A_116 = arith.addf %sqrt3A, %get3A_115 : vector<64x200xf32>
    %reduce_max3A = arith.constant dense<0xFF800000> : vector<64xf32>
    %reduce_max3A_117 = vector.multi_reduction <maximumf>, %add3A_116, %reduce_max3A [1] : vector<64x200xf32> to vector<64xf32>
    %broadcast_in_dim3A_118 = vector.shape_cast %reduce_max3A_117 : vector<64xf32> to vector<64x1xf32>
    %iota3A_119 = tpu.iota {dimensions = array<i32: 1>} : vector<64x200xi32>
    %eq3A_120 = vector.broadcast %broadcast_in_dim3A_118 : vector<64x1xf32> to vector<64x200xf32>
    %eq3A_121 = arith.cmpf oeq, %add3A_116, %eq3A_120 : vector<64x200xf32>
    %jit3A = arith.constant 1073741824 : i32
    %broadcast_in_dim3A_122 = vector.broadcast %jit3A : i32 to vector<64x200xi32>
    %select_n3A = arith.select %eq3A_121, %iota3A_119, %broadcast_in_dim3A_122 : vector<64x200xi1>, vector<64x200xi32>
    %reduce_min3A = arith.constant dense<2147483647> : vector<64xi32>
    %reduce_min3A_123 = vector.multi_reduction <minsi>, %select_n3A, %reduce_min3A [1] : vector<64x200xi32> to vector<64xi32>
    %broadcast_in_dim3A_124 = vector.shape_cast %reduce_min3A_123 : vector<64xi32> to vector<64x1xi32>
    %eq3A_125 = vector.broadcast %broadcast_in_dim3A_124 : vector<64x1xi32> to vector<64x200xi32>
    %eq3A_126 = arith.cmpi eq, %iota3A_119, %eq3A_125 : vector<64x200xi32>
    %jit3A_127 = arith.constant 0.000000e+00 : f32
    %broadcast_in_dim3A_128 = vector.broadcast %jit3A_127 : f32 to vector<64x200xf32>
    %select_n3A_129 = arith.select %eq3A_126, %sqrt3A, %broadcast_in_dim3A_128 : vector<64x200xi1>, vector<64x200xf32>
    %reduce_sum3A_130 = arith.constant dense<0.000000e+00> : vector<64xf32>
    %reduce_sum3A_131 = vector.multi_reduction <add>, %select_n3A_129, %reduce_sum3A_130 [1] : vector<64x200xf32> to vector<64xf32>
    %broadcast_in_dim3A_132 = vector.shape_cast %reduce_sum3A_131 : vector<64xf32> to vector<64x1xf32>
    %get3A_133 = arith.constant 0 : index
    %get3A_134 = arith.constant 0 : index
    %get3A_135 = vector.load %arg3[%get3A_133, %get3A_134] : memref<64x200xf32, #tpu.memory_space<vmem>>, vector<64x200xf32>
    %jit3A_136 = arith.constant 0.000000e+00 : f32
    %broadcast_in_dim3A_137 = vector.broadcast %jit3A_136 : f32 to vector<64x200xf32>
    %select_n3A_138 = arith.select %eq3A_126, %get3A_135, %broadcast_in_dim3A_137 : vector<64x200xi1>, vector<64x200xf32>
    %reduce_sum3A_139 = arith.constant dense<0.000000e+00> : vector<64xf32>
    %reduce_sum3A_140 = vector.multi_reduction <add>, %select_n3A_138, %reduce_sum3A_139 [1] : vector<64x200xf32> to vector<64xf32>
    %broadcast_in_dim3A_141 = vector.shape_cast %reduce_sum3A_140 : vector<64xf32> to vector<64x1xf32>
    %log3A = math.log %broadcast_in_dim3A_112 : vector<64x1xf32>
    %sub3A_142 = arith.subf %broadcast_in_dim3A_132, %log3A : vector<64x1xf32>
    %mul3A_143 = arith.mulf %sub3A_142, %broadcast_in_dim3A_141 : vector<64x1xf32>
    %reduce_sum3A_144 = arith.constant dense<0.000000e+00> : vector<64xf32>
    %reduce_sum3A_145 = vector.multi_reduction <add>, %mul3A_143, %reduce_sum3A_144 [1] : vector<64x1xf32> to vector<64xf32>
    %broadcast_in_dim3A_146 = vector.shape_cast %reduce_sum3A_145 : vector<64xf32> to vector<64x1xf32>
    %reduce_sum3A_147 = arith.constant dense<0.000000e+00> : vector<1xf32>
    %reduce_sum3A_148 = vector.multi_reduction <add>, %broadcast_in_dim3A_146, %reduce_sum3A_147 [0] : vector<64x1xf32> to vector<1xf32>
    %broadcast_in_dim3A_149 = vector.shape_cast %reduce_sum3A_148 : vector<1xf32> to vector<1x1xf32>
    %mul3A_150 = arith.mulf %add3A_10, %add3A_10 : vector<64x64xf32>
    %reduce_sum3A_151 = arith.constant dense<0.000000e+00> : vector<64xf32>
    %reduce_sum3A_152 = vector.multi_reduction <add>, %mul3A_150, %reduce_sum3A_151 [1] : vector<64x64xf32> to vector<64xf32>
    %broadcast_in_dim3A_153 = vector.shape_cast %reduce_sum3A_152 : vector<64xf32> to vector<64x1xf32>
    %reduce_sum3A_154 = arith.constant dense<0.000000e+00> : vector<1xf32>
    %reduce_sum3A_155 = vector.multi_reduction <add>, %broadcast_in_dim3A_153, %reduce_sum3A_154 [0] : vector<64x1xf32> to vector<1xf32>
    %broadcast_in_dim3A_156 = vector.shape_cast %reduce_sum3A_155 : vector<1xf32> to vector<1x1xf32>
    %mul3A_157 = arith.mulf %add3A_109, %add3A_109 : vector<64x12800xf32>
    %reduce_sum3A_158 = vector.shape_cast %mul3A_157 : vector<64x12800xf32> to vector<1x64x12800xf32>
    %reduce_sum3A_159 = arith.constant dense<0.000000e+00> : vector<1xf32>
    %reduce_sum3A_160 = vector.multi_reduction <add>, %reduce_sum3A_158, %reduce_sum3A_159 [1, 2] : vector<1x64x12800xf32> to vector<1xf32>
    %reduce_sum3A_161 = vector.shape_cast %reduce_sum3A_160 : vector<1xf32> to vector<1x1x1xf32>
    %reduce_sum3A_162 = vector.extract %reduce_sum3A_161[0, 0, 0] : f32 from vector<1x1x1xf32>
    %reshape3A = vector.broadcast %reduce_sum3A_162 : f32 to vector<1x1xf32>
    %add3A_163 = arith.addf %broadcast_in_dim3A_156, %reshape3A : vector<1x1xf32>
    %eq3A_164 = arith.constant 0 : i32
    %eq3A_165 = arith.cmpi eq, %arg0, %eq3A_164 : i32
    %convert_element_type3A_166 = arith.extui %eq3A_165 : i1 to i32
    %cond3A = arith.constant 0 : i32
    %cond3A_167 = arith.cmpi ne, %convert_element_type3A_166, %cond3A : i32
    scf.if %cond3A_167 {
      %broadcast_in_dim3A_181 = arith.constant 0.000000e+00 : f32
      %broadcast_in_dim3A_182 = vector.broadcast %broadcast_in_dim3A_181 : f32 to vector<1x1xf32>
      %swap3A_183 = arith.constant 0 : index
      %swap3A_184 = arith.constant 0 : index
      %swap3A_185 = vector.load %arg11[%swap3A_183, %swap3A_184] : memref<1x1xf32, #tpu.memory_space<vmem>>, vector<1x1xf32>
      tpu.vector_store %arg11[%swap3A_183, %swap3A_184], %broadcast_in_dim3A_182 {strides = array<i32>} : memref<1x1xf32, #tpu.memory_space<vmem>>, vector<1x1xf32>,
      %broadcast_in_dim3A_186 = arith.constant 0.000000e+00 : f32
      %broadcast_in_dim3A_187 = vector.broadcast %broadcast_in_dim3A_186 : f32 to vector<1x1xf32>
      %swap3A_188 = arith.constant 0 : index
      %swap3A_189 = arith.constant 0 : index
      %swap3A_190 = vector.load %arg12[%swap3A_188, %swap3A_189] : memref<1x1xf32, #tpu.memory_space<vmem>>, vector<1x1xf32>
      tpu.vector_store %arg12[%swap3A_188, %swap3A_189], %broadcast_in_dim3A_187 {strides = array<i32>} : memref<1x1xf32, #tpu.memory_space<vmem>>, vector<1x1xf32>,
    } else {
    }
    %get3A_168 = arith.constant 0 : index
    %get3A_169 = arith.constant 0 : index
    %get3A_170 = vector.load %arg11[%get3A_168, %get3A_169] : memref<1x1xf32, #tpu.memory_space<vmem>>, vector<1x1xf32>
    %add3A_171 = arith.addf %get3A_170, %broadcast_in_dim3A_149 : vector<1x1xf32>
    %swap3A = arith.constant 0 : index
    %swap3A_172 = arith.constant 0 : index
    %swap3A_173 = vector.load %arg11[%swap3A, %swap3A_172] : memref<1x1xf32, #tpu.memory_space<vmem>>, vector<1x1xf32>
    tpu.vector_store %arg11[%swap3A, %swap3A_172], %add3A_171 {strides = array<i32>} : memref<1x1xf32, #tpu.memory_space<vmem>>, vector<1x1xf32>,
    %get3A_174 = arith.constant 0 : index
    %get3A_175 = arith.constant 0 : index
    %get3A_176 = vector.load %arg12[%get3A_174, %get3A_175] : memref<1x1xf32, #tpu.memory_space<vmem>>, vector<1x1xf32>
    %add3A_177 = arith.addf %get3A_176, %add3A_163 : vector<1x1xf32>
    %swap3A_178 = arith.constant 0 : index
    %swap3A_179 = arith.constant 0 : index
    %swap3A_180 = vector.load %arg12[%swap3A_178, %swap3A_179] : memref<1x1xf32, #tpu.memory_space<vmem>>, vector<1x1xf32>
    tpu.vector_store %arg12[%swap3A_178, %swap3A_179], %add3A_177 {strides = array<i32>} : memref<1x1xf32, #tpu.memory_space<vmem>>, vector<1x1xf32>,
    return
  }
  func.func @transform_0(%arg0: i32) -> (i32, i32) {
    %c0_i32 = arith.constant 0 : i32
    %c0_i32_0 = arith.constant 0 : i32
    return %arg0, %c0_i32 : i32, i32
  }
  func.func @transform_1(%arg0: i32) -> (i32, i32) {
    %c0_i32 = arith.constant 0 : i32
    %c0_i32_0 = arith.constant 0 : i32
    return %arg0, %c0_i32 : i32, i32
  }
  func.func @transform_2(%arg0: i32) -> (i32, i32) {
    %c0_i32 = arith.constant 0 : i32
    %c0_i32_0 = arith.constant 0 : i32
    return %arg0, %c0_i32 : i32, i32
  }
  func.func @transform_3(%arg0: i32) -> (i32, i32) {
    %c0_i32 = arith.constant 0 : i32
    %c0_i32_0 = arith.constant 0 : i32
    return %arg0, %c0_i32 : i32, i32
  }
  func.func @transform_4(%arg0: i32) -> (i32, i32) {
    %c0_i32 = arith.constant 0 : i32
    %c0_i32_0 = arith.constant 0 : i32
    %c0_i32_1 = arith.constant 0 : i32
    return %c0_i32, %c0_i32_0 : i32, i32
  }
  func.func @transform_5(%arg0: i32) -> (i32, i32) {
    %c0_i32 = arith.constant 0 : i32
    %c0_i32_0 = arith.constant 0 : i32
    %c0_i32_1 = arith.constant 0 : i32
    return %c0_i32, %c0_i32_0 : i32, i32
  }
  func.func @transform_6(%arg0: i32) -> (i32, i32) {
    %c0_i32 = arith.constant 0 : i32
    %c0_i32_0 = arith.constant 0 : i32
    %c0_i32_1 = arith.constant 0 : i32
    return %c0_i32, %c0_i32_0 : i32, i32
  }
  func.func @transform_7(%arg0: i32) -> (i32, i32) {
    %c0_i32 = arith.constant 0 : i32
    %c0_i32_0 = arith.constant 0 : i32
    %c0_i32_1 = arith.constant 0 : i32
    return %c0_i32, %c0_i32_0 : i32, i32
  }
  func.func @transform_8(%arg0: i32) -> (i32, i32) {
    %c0_i32 = arith.constant 0 : i32
    %c0_i32_0 = arith.constant 0 : i32
    %c0_i32_1 = arith.constant 0 : i32
    return %c0_i32, %c0_i32_0 : i32, i32
  }
  func.func @transform_9(%arg0: i32) -> (i32, i32) {
    %c0_i32 = arith.constant 0 : i32
    %c0_i32_0 = arith.constant 0 : i32
    %c0_i32_1 = arith.constant 0 : i32
    return %c0_i32, %c0_i32_0 : i32, i32
  }
  func.func @transform_10(%arg0: i32) -> (i32, i32) {
    %c0_i32 = arith.constant 0 : i32
    %c0_i32_0 = arith.constant 0 : i32
    %c0_i32_1 = arith.constant 0 : i32
    return %c0_i32, %c0_i32_0 : i32, i32
  }
  func.func @transform_11(%arg0: i32) -> (i32, i32) {
    %c0_i32 = arith.constant 0 : i32
    %c0_i32_0 = arith.constant 0 : i32
    %c0_i32_1 = arith.constant 0 : i32
    return %c0_i32, %c0_i32_0 : i32, i32
  }
}

</mosaic_0001>

<sc_bundles>
// kernel: kernel.6.cloned.1.call-start
scs
__scs_entry_jumppad:
0x0: {  	(pc) =	sbr.rel $0x88, $3  }
0x1: {  	(tag) =	ssettag $0x0;
	lr =	simm.s32 $0x1  }
0x2: {  	[smem:$0x3F98] =	sst lr;
	_ =	strace $0xD0000000  }
0x3: {  	_ = 	snop  }
0x4: {  	_ = 	snop  }
0x5: {  	_ = 	snop  }
0x6: {  	_ = 	snop  }
0x7: {  	_ = 	snop  }
__scs_overlays_trampoline_lowered:
0x8: {  	[smem:$0x3FA7] =	sst s0  }
0x9: {  	[smem:$0x3FA8] =	sst s1  }
0xa: {  	[smem:$0x3FA9] =	sst s2  }
0xb: {  	[smem:$0x3FAA] =	sst s3  }
0xc: {  	[smem:$0x3FAB] =	sst s4  }
0xd: {  	[smem:$0x3FAC] =	sst s5  }
0xe: {  	[smem:$0x3FAD] =	sst s6  }
0xf: {  	[smem:$0x3FAE] =	sst s7  }
0x10: {  	[smem:$0x3FAF] =	sst s8  }
0x11: {  	[smem:$0x3FB0] =	sst s9;
	s0 =	simm.s32 @!p0 $0x0  }
0x12: {  	s1 =	sld [smem:$0x3F96];
	s0 =	simm.s32 @p0 $0x1  }
0x13: {  	[smem:$0x3FB1] =	sst s0;
	s0 =	simm.s32 @!p1 $0x0  }
0x14: {  	s2 =	sld [smem:$0x3F95];
	s0 =	simm.s32 @p1 $0x1  }
0x15: {  	[smem:$0x3FB2] =	sst s0;
	s0 =	simm.s32 @!p2 $0x0  }
0x16: {  	s3 =	sld [smem:$0x3FDB];
	s0 =	simm.s32 @p2 $0x1  }
0x17: {  	s4 =	simm.s32 $0x1BF5;
	[smem:$0x3FB4] =	sst s0  }
0x18: {  	s0 =	sld [smem:$0x3F97];
	_ =	swait.ge [sflag:s4], $0x0  }
0x19: {  	s7 =	sld [smem:$0x3F98]  }
0x1a: {  	s8 =	sadd.s32 $0xFFFFE003, lr  }
0x1b: {  	s9 =	sadd.s32 $0xFFFFFEF7, lr;
	s5 =	simm.s32 $0xFFFFFFFF;
	p2 =	slt.u32 s8, $0xFFFFF086  }
0x1c: {  	p1 =	slt.u32 s9, $0xF7A;
	s5 =	simm.s32 @!p2 $0x0  }
0x1d: {  	s5 =	simm.s32 @p1 $0x1;
	p0 =	seq.s32 s7, s2  }
0x1e: {  	s7 =	smul.u32 @!p0 $0xF7A, s2;
	p2 =	seq.s32 @!p0 s5, $0x0  }
0x1f: {  	s9 =	smul.u32 $0xF7A, s1;
	s8 =	simm.s32 @!p0 $0x1BF5;
	p2 =	por !p2, p0  }
0x20: {  	[sflag:s8] =	ssyncset.s32 @!p0 $0xFFFFF086;
	s6 =	sadd.s32 @!p0 s3, s7;
	s7 =	simm.s32 @!p0 $0x108  }
0x21: {  	s3 =	sadd.s32 s3, s9;
	s6 =	sadd.s32 @!p0 $0x88, s6;
	s7 =	simm.s32 @p2 $0x1082  }
0x22: {  	[simem:s7], [sflag:s8] =	dma.local @!p0 [hbm:s6], $0xF7A  }
0x23: {  	s9 =	sor.u32 $0xD0000000, s2;
	s6 =	simm.s32 $0x108;
	_ =	swait.ge @!p0 [sflag:s8], $0x0  }
0x24: {  	s3 =	sadd.s32 $0x88, s3;
	s6 =	simm.s32 @!p1 $0x1082;
	[sflag:s4] =	ssyncset.s32 $0xFFFFF086  }
0x25: {  	[simem:s6], [sflag:s4] =	dma.local [hbm:s3], $0xF7A  }
0x26: {  	[smem:$0x3F98] =	sst s1;
	(tag) =	ssettag s2;
	_ =	strace s9  }
0x27: {  	s1 =	sld [smem:$0x3FA8]  }
0x28: {  	s2 =	sld [smem:$0x3FA9]  }
0x29: {  	s4 =	sld [smem:$0x3FAB]  }
0x2a: {  	p0 =	seq.s32 s5, $0x0;
	s5 =	sld [smem:$0x3FAC]  }
0x2b: {  	s6 =	sld [smem:$0x3FAD]  }
0x2c: {  	s7 =	sld [smem:$0x3FAE]  }
0x2d: {  	s3 =	simm.s32 $0x108;
	s8 =	sld [smem:$0x3FAF]  }
0x2e: {  	s3 =	simm.s32 @!p0 $0x1082;
	s9 =	sld [smem:$0x3FB0]  }
0x2f: {  	lr =	sadd.s32 s0, s3;
	s0 =	sld [smem:$0x3FA7]  }
0x30: {  	s3 =	sld [smem:$0x3FAA]  }
0x31: {  	[smem:$0x3FB3] =	sst s10  }
0x32: {  	s10 =	sld [smem:$0x3FB1];
	_ =	sdelay $0x3  }
0x33: {  	p0 =	seq.s32 s10, $0x1;
	s10 =	sld [smem:$0x3FB3];
	_ =	sdelay $0x3  }
0x34: {  	[smem:$0x3FB3] =	sst s10  }
0x35: {  	s10 =	sld [smem:$0x3FB2];
	_ =	sdelay $0x3  }
0x36: {  	p1 =	seq.s32 s10, $0x1;
	s10 =	sld [smem:$0x3FB3];
	_ =	sdelay $0x3  }
0x37: {  	[smem:$0x3FB3] =	sst s10  }
0x38: {  	s10 =	sld [smem:$0x3FB4]  }
0x39: {  	_ = 	snop;
	(pc) =	sbr.ind lr, $3  }
0x3a: {  	_ = 	snop  }
0x3b: {  	_ = 	snop  }
0x3c: {  	p2 =	seq.s32 s10, $0x1;
	s10 =	sld [smem:$0x3FB3]  }
0x3d: {  	_ =	shalt  }
0x3e: {  	_ =	shalt  }
0x3f: {  	_ =	shalt  }
0x40: {  	_ =	shalt  }
0x41: {  	_ =	shalt  }
0x42: {  	_ =	shalt  }
0x43: {  	_ =	shalt  }
0x44: {  	_ =	shalt  }
0x45: {  	_ =	shalt  }
0x46: {  	_ =	shalt  }
0x47: {  	_ =	shalt  }
0x48: {  	_ =	shalt  }
0x49: {  	_ =	shalt  }
0x4a: {  	_ =	shalt  }
0x4b: {  	_ =	shalt  }
0x4c: {  	_ =	shalt  }
0x4d: {  	_ =	shalt  }
0x4e: {  	_ =	shalt  }
0x4f: {  	_ =	shalt  }
0x50: {  	_ =	shalt  }
0x51: {  	_ =	shalt  }
0x52: {  	_ =	shalt  }
0x53: {  	_ =	shalt  }
0x54: {  	_ =	shalt  }
0x55: {  	_ =	shalt  }
0x56: {  	_ =	shalt  }
0x57: {  	_ =	shalt  }
0x58: {  	_ =	shalt  }
0x59: {  	_ =	shalt  }
0x5a: {  	_ =	shalt  }
0x5b: {  	_ =	shalt  }
0x5c: {  	_ =	shalt  }
0x5d: {  	_ =	shalt  }
0x5e: {  	_ =	shalt  }
0x5f: {  	_ =	shalt  }
0x60: {  	_ =	shalt  }
0x61: {  	_ =	shalt  }
0x62: {  	_ =	shalt  }
0x63: {  	_ =	shalt  }
0x64: {  	_ =	shalt  }
0x65: {  	_ =	shalt  }
0x66: {  	_ =	shalt  }
0x67: {  	_ =	shalt  }
0x68: {  	_ =	shalt  }
0x69: {  	_ =	shalt  }
0x6a: {  	_ =	shalt  }
0x6b: {  	_ =	shalt  }
0x6c: {  	_ =	shalt  }
0x6d: {  	_ =	shalt  }
0x6e: {  	_ =	shalt  }
0x6f: {  	_ =	shalt  }
0x70: {  	_ =	shalt  }
0x71: {  	_ =	shalt  }
0x72: {  	_ =	shalt  }
0x73: {  	_ =	shalt  }
0x74: {  	_ =	shalt  }
0x75: {  	_ =	shalt  }
0x76: {  	_ =	shalt  }
0x77: {  	_ =	shalt  }
0x78: {  	_ =	shalt  }
0x79: {  	_ =	shalt  }
0x7a: {  	_ =	shalt  }
0x7b: {  	_ =	shalt  }
0x7c: {  	_ =	shalt  }
0x7d: {  	_ =	shalt  }
0x7e: {  	_ =	shalt  }
0x7f: {  	_ =	shalt  }
0x80: {  	_ =	shalt  }
0x81: {  	_ =	shalt  }
0x82: {  	_ =	shalt  }
0x83: {  	_ =	shalt  }
0x84: {  	_ =	shalt  }
0x85: {  	_ =	shalt  }
0x86: {  	_ =	shalt  }
0x87: {  	_ =	shalt  }
.Lfunc_end0:
.L_simem_size_0:
called_computation_lowered:
.L_overlay_start_0:
0x88: {  	s2 =	sld [smem:$0x3FD9]  }
0x89: {  	s3 =	sld [smem:$0x3FFE];
	_ =	sdelay $0x1  }
0x8a: {  	s1 =	srdreg.scid  }
0x8b: {  	s0 =	sand.u32 $0x1, s1  }
0x8c: {  	s17 =	sshll.u32 s0, $0xA;
	s2 =	sadd.s32 s3, s2  }
0x8d: {  	s2 =	sadd.s32 s2, s17  }
0x8e: {  	[smem:$0x3FBF] =	sst s2  }
0x8f: {  	_ = 	snop  }
0x90: {  	(tm) =	ssettm $0x1  }
0x91: {  	s18 =	sld [smem:$0x3FFB];
	_ =	sdelay $0x3  }
0x92: {  	_ =	strace s18  }
0x93: {  	s2 =	sld [smem:$0x3FFC];
	_ =	sdelay $0x3  }
0x94: {  	_ =	strace s2  }
0x95: {  	s2 =	sld [smem:$0x3FFD];
	_ =	sdelay $0x3  }
0x96: {  	_ =	strace s2  }
0x97: {  	_ =	strace $0x8FFFFFFF  }
0x98: {  	s19 =	sld [smem:$0x3FDB];
	_ =	sdelay $0x1  }
0x99: {  	s20 =	simm.s32 $_scs_section_size  }
0x9a: {  	s4 =	simm.s32 $_size__tile_overlayer_lowered;
	s5 =	simm.s32 $_tile_overlayer_lowered  }
0x9b: {  	s6 =	simm.s32 $0x1BFF;
	s21 =	sshll.u32 s5, $0x1;
	s3 =	sadd.s32 s20, s19  }
0x9c: {  	s22 =	simm.s32 $0x0;
	s4 =	sshll.u32 s4, $0x1;
	s5 =	sadd.s32 s21, s3  }
0x9d: {  	[timem:s22], [sflag:s6] =	dma.local [hbm:s5], s4  }
0x9e: {  	_ =	swait.ge [sflag:s6], s4  }
0x9f: {  	s4 =	ssub.s32 $0x0, s4;
	[sflag:s6] =	ssyncset.done $0x0  }
0xa0: {  	[sflag:s6] =	ssyncadd.s32 s4;
	_ =	sdelay $0x1  }
0xa1: {  	s23 =	simm.s32 $0x1B8B  }
0xa2: {  	_ =	swait.ge [sflag:s23], $0x1  }
0xa3: {  	[sflag:s23] =	ssyncset.done $0x0  }
0xa4: {  	[sflag:s23] =	ssyncadd.s32 $0xFFFFFFFF  }
0xa5: {  	s4 =	sld [smem:$0x0]  }
0xa6: {  	s5 =	sand.u32 $0xFFFFFFFE, s1  }
0xa7: {  	p0 =	sne.s32 s1, s5  }
0xa8: {  	s5 =	sshll.u32 @p0 s5, $0xE  }
0xa9: {  	s5 =	sadd.s32 @p0 $0x11B8D, s5;
	s6 =	sshll.u32 @p0 s4, $0x11  }
0xaa: {  	s5 =	sor.u32 @p0 s6, s5  }
0xab: {  	[sflag:s5] =	ssyncadd.remote.s32 @p0 $0x1;
	_ =	sdelay $0x1  }
0xac: {  	s5 =	simm.s32 @p0 $0x1B8D  }
0xad: {  	_ =	swait.eq @p0 [sflag:s5], $0x1  }
0xae: {  	[sflag:s5] =	ssyncadd.s32 @p0 $0xFFFFFFFF  }
0xaf: {  	s6 =	sshll.u32 @!p0 s1, $0xE  }
0xb0: {  	s6 =	sor.u32 @!p0 $0x4000, s6;
	s5 =	simm.s32 @!p0 $0x1B8D  }
0xb1: {  	s4 =	sshll.u32 @!p0 s4, $0x11;
	s6 =	sadd.s32 @!p0 $0x11B8D, s6;
	_ =	swait.eq @!p0 [sflag:s5], $0x1  }
0xb2: {  	s4 =	sor.u32 @!p0 s4, s6;
	[sflag:s5] =	ssyncadd.s32 @!p0 $0xFFFFFFFF  }
0xb3: {  	s25 =	simm.s32 $0x1B8E;
	s24 =	sld [smem:$0x3FFE];
	[sflag:s4] =	ssyncadd.remote.s32 @!p0 $0x1  }
0xb4: {  	s26 =	simm.s32 $execute0_lowered;
	[smem:$0x3FD2] =	sst s25  }
0xb5: {  	s5 =	sshll.u32 s26, $0x1;
	_ =	strace $0x80000049;
	[dreg:$0x1] =	wrdreg $0xFFFFFFFF  }
0xb6: {  	s28 =	simm.s32 $_size_execute0_lowered;
	s3 =	sadd.s32 s3, s5;
	[dreg:$0x0] =	wrdreg $0x0  }
0xb7: {  	s5 =	sshll.u32 s28, $0x1;
	[dreg:$0x2] =	wrdreg s3  }
0xb8: {  	[dreg:$0x3] =	wrdreg s5  }
0xb9: {  	[dreg:$0x4] =	wrdreg $0xC0  }
0xba: {  	_ =	task [dreg:s22], $0x5FFFF  }
0xbb: {  	[dreg:$0x1] =	wrdreg $0xFFFFFFFF  }
0xbc: {  	[dreg:$0x0] =	wrdreg $0x60  }
0xbd: {  	[dreg:$0x2] =	wrdreg s24  }
0xbe: {  	[dreg:$0x3] =	wrdreg $0x9  }
0xbf: {  	_ =	task.clear_ibuf [dreg:s22], $0x4FFFF;
	_ =	strace $0x90000049  }
0xc0: {  	s29 =	simm.s32 $0x9;
	_ =	strace $0x8000004B  }
0xc1: {  	_ =	swait.ge [sflag:s29], $0x1  }
0xc2: {  	[sflag:s29] =	ssyncadd.s32 $0xFFFFFFFF  }
0xc3: {  	_ =	strace $0x9000004B  }
0xc4: {  	_ =	sfence  }
0xc5: {  	s30 =	sld [smem:$0x0];
	_ =	sdelay $0x2  }
0xc6: {  	s31 =	sshll.u32 s1, $0xD;
	s1 =	sshrl.u32 s1, $0x2  }
0xc7: {  	s4 =	sand.u32 $0x4000, s31;
	s1 =	sadd.s32 s1, s30  }
0xc8: {  	s0 =	sor.u32 s4, s0;
	s1 =	sshll.u32 s1, $0x11  }
0xc9: {  	s0 =	sor.u32 s1, s0  }
0xca: {  	s0 =	sadd.s32 $0x8F2B, s0  }
0xcb: {  	[sflag:s0] =	ssyncadd.remote.s32 $0x1  }
0xcc: {  	_ =	sfence.sel $0xFFFF  }
0xcd: {  	[dreg:$0x0] =	wrdreg $0xFFFFFFFF;
	(pc) =	sbr.abs _section_cstart, $3  }
0xce: {  	[dreg:$0x1] =	wrdreg $0xFFFFFFFF  }
0xcf: {  	_ =	task.clear_ibuf [dreg:s22], $0x2FFFF;
	_ =	strace $0x9FFFFFFF  }
0xd0: {  	(tm) =	ssettm $0x7FFFFFFF  }
0xd1: {  	_ =	shalt  }
tec
execute0_lowered:
.L_overlay_start_1:
0x0: {  	(tag) =	ssettag $0x1  }
0x1: {  	s0 =	rddreg [dreg:$0x0];
	s2 =	simm.s32 $0x0  }
0x2: {  	s1 =	srdreg.scid;
	s14 =	stileid.u32;
	s15 =	simm.s32 $0x40  }
0x3: {  	s16 =	simm.s32 $0xA2C0;
	s17 =	simm.s32 $0x2;
	s18 =	simm.s32 $0x80  }
0x4: {  	s20 =	simm.s32 $0x280;
	s21 =	simm.s32 $0x2280;
	s28 =	simm.s32 $0x8280  }
0x5: {  	s29 =	simm.s32 $0x1;
	s30 =	simm.s32 $0x0;
	[smem:$0x7FF] =	sst s2  }
0x6: {  	s1 =	sand.u32 $0x1, s1;
	s4 =	sshll.u32 s14, $0x1;
	s6 =	smul.u32 $0x32000, s14  }
0x7: {  	s3 =	sadd.s32 $0x18BA00, s0;
	s12 =	sadd.s32 $0x15C00, s0;
	s11 =	smul.u32 $0xC8, s14  }
0x8: {  	s22 =	sadd.s32 $0x24F000, s0;
	s24 =	smul.u32 $0xC80, s14;
	s14 =	simm.s32 $0x3  }
0x9: {  	_ =	strace $0x8000004A;
	s5 =	sor.u32 s1, s4;
	s10 =	smul.u32 $0x19000, s1  }
0xa: {  	[dreg:$0x2] =	wrdreg s22;
	s23 =	ssub.s32 $0x2, s1;
	s13 =	smul.u32 $0x64, s1  }
0xb: {  	s1 =	smul.u32 $0x640, s1;
	s22 =	simm.s32 $0x100;
	s7 =	sshll.u32 s5, $0x3  }
0xc: {  	s9 =	sadd.s32 s6, s0;
	s5 =	sshll.u32 s5, $0x9;
	s8 =	sshrl.u32 s23, $0x1  }
0xd: {  	s7 =	sadd.s32 s7, s0;
	s0 =	sadd.s32 s5, s0;
	s8 =	ssub.s32 s23, s8  }
0xe: {  	s25 =	sadd.s32 s10, s9;
	s26 =	sadd.s32 s13, s11;
	s23 =	simm.s32 $0x4280  }
0xf: {  	s5 =	sadd.s32 $0x5200, s7;
	s6 =	sadd.s32 $0x22400, s0;
	s7 =	sadd.s32 $0x22408, s0  }
0x10: {  	s8 =	smax.u32 s8, $0x1;
	s9 =	sadd.s32 $0x632600, s25;
	s0 =	sadd.s32 s24, s12  }
0x11: {  	s13 =	sshll.u32 s26, $0x4;
	s11 =	sadd.s32 $0x632608, s25;
	s24 =	simm.s32 $0x180  }
0x12: {  	s25 =	simm.s32 $0x6280;
	s26 =	simm.s32 $0x200;
	s31 =	sadd.s32 s12, s13  }
0x13: {  	s10 =	sadd.s32 s1, s0;
	s13 =	simm.s32 $0xA280;
	s12 =	sadd.s32 $0x300, s31  }
.LBB2_1:
0x14: {  	[tilespmem:s13], [sflag:$0x3] =	stream.linear.gather [hbm4b:s5+s2], $0x40, $0x38;
	[tilespmem:$0xB2C0] =	vst v63  }
0x15: {  	_ =	swait.ge [sflag:s14], $0x40  }
0x16: {  	[sflag:s14] =	ssyncset.done $0x0  }
0x17: {  	s0 =	rddreg [dreg:$0x2];
	[sflag:s14] =	ssyncadd.s32 $0xFFFFFFC0  }
0x18: {  	[tilespmem:s16], [sflag:$0x2] =	stream.indirect.gather [hbm4b:s0+s15], $0x40, s13, s15, $0xb8;
	[tilespmem:$0xB2C0] =	vst v63  }
0x19: {  	_ =	swait.ge [sflag:s17], $0x1000  }
0x1a: {  	[sflag:s17] =	ssyncset.done $0x0  }
0x1b: {  	[sflag:s17] =	ssyncadd.s32 $0xFFFFF000  }
0x1c: {  	[hbm4b:s6+s15] =	stream.strided.scatter [tilespmem:s16], [sflag:$0x3], $0x800, s18, s15, $0x38;
	[tilespmem:$0xB2C0] =	vst v63  }
0x1d: {  	_ =	swait.ge [sflag:s14], $0x800  }
0x1e: {  	[sflag:s14] =	ssyncset.done $0x0  }
0x1f: {  	s4 =	simm.s32 $0xAAC0;
	[sflag:s14] =	ssyncadd.s32 $0xFFFFF800  }
0x20: {  	[hbm4b:s7+s15] =	stream.strided.scatter [tilespmem:s4], [sflag:$0x3], $0x800, s18, s15, $0x38;
	[tilespmem:$0xB2C0] =	vst v63  }
0x21: {  	_ =	swait.ge [sflag:s14], $0x800  }
0x22: {  	[sflag:s14] =	ssyncset.done $0x0  }
0x23: {  	s19 =	sadd.s32 $0x0, s10;
	[sflag:s14] =	ssyncadd.s32 $0xFFFFF800  }
0x24: {  	[tilespmem:s2], [sflag:$0x3] =	stream.linear.gather [hbm4b:s19+s2], $0x280, $0x38;
	[tilespmem:$0xB2C0] =	vst v63  }
0x25: {  	_ =	swait.ge [sflag:s14], $0x280  }
0x26: {  	[sflag:s14] =	ssyncset.done $0x0  }
0x27: {  	[sflag:s14] =	ssyncadd.s32 $0xFFFFFD80  }
0x28: {  	[tilespmem:s20], [sflag:$0x1] =	stream.indirect.gather [hbm4b:s3+s18], $0x40, s2, s18, $0xb8;
	[tilespmem:$0xB2C0] =	vst v63  }
0x29: {  	_ = 	snop  }
0x2a: {  	[tilespmem:s21], [sflag:$0x1] =	stream.indirect.gather [hbm4b:s3+s18], $0x40, s18, s18, $0xb8;
	[tilespmem:$0xB2C0] =	vst v63  }
0x2b: {  	_ = 	snop  }
0x2c: {  	[tilespmem:s23], [sflag:$0x1] =	stream.indirect.gather [hbm4b:s3+s18], $0x40, s22, s18, $0xb8;
	[tilespmem:$0xB2C0] =	vst v63  }
0x2d: {  	_ = 	snop  }
0x2e: {  	[tilespmem:s25], [sflag:$0x1] =	stream.indirect.gather [hbm4b:s3+s18], $0x40, s24, s18, $0xb8;
	[tilespmem:$0xB2C0] =	vst v63  }
0x2f: {  	_ = 	snop  }
0x30: {  	[tilespmem:s28], [sflag:$0x1] =	stream.indirect.gather [hbm4b:s3+s18], $0x40, s26, s18, $0xb8;
	[tilespmem:$0xB2C0] =	vst v63  }
0x31: {  	_ =	swait.ge [sflag:s29], $0x2000  }
0x32: {  	[sflag:s29] =	ssyncset.done $0x0  }
0x33: {  	[sflag:s29] =	ssyncadd.s32 $0xFFFFE000  }
0x34: {  	_ =	swait.ge [sflag:s29], $0x2000  }
0x35: {  	[sflag:s29] =	ssyncset.done $0x0  }
0x36: {  	[sflag:s29] =	ssyncadd.s32 $0xFFFFE000  }
0x37: {  	_ =	swait.ge [sflag:s29], $0x2000  }
0x38: {  	[sflag:s29] =	ssyncset.done $0x0  }
0x39: {  	[sflag:s29] =	ssyncadd.s32 $0xFFFFE000  }
0x3a: {  	_ =	swait.ge [sflag:s29], $0x2000  }
0x3b: {  	[sflag:s29] =	ssyncset.done $0x0  }
0x3c: {  	[sflag:s29] =	ssyncadd.s32 $0xFFFFE000  }
0x3d: {  	_ =	swait.ge [sflag:s29], $0x2000  }
0x3e: {  	[sflag:s29] =	ssyncset.done $0x0  }
0x3f: {  	[sflag:s29] =	ssyncadd.s32 $0xFFFFE000  }
0x40: {  	[hbm4b:s9+s15] =	stream.strided.scatter [tilespmem:s20], [sflag:$0x3], $0xA000, s18, s15, $0x38;
	[tilespmem:$0xB2C0] =	vst v63  }
0x41: {  	s1 =	simm.s32 $0xA0;
	_ =	swait.ge [sflag:s14], $0xA000  }
0x42: {  	s31 =	sadd.s32 $0x2800, s9;
	s0 =	simm.s32 $0x50;
	[sflag:s14] =	ssyncset.done $0x0  }
.LBB2_2:
0x43: {  	s19 =	sadd.s32 s0, s10  }
0x44: {  	[sflag:s14] =	ssyncadd.s32 $0xFFFF6000;
	s0 =	smov.u32 s1;
	s4 =	sadd.s32 $0x50, s1  }
0x45: {  	[tilespmem:s2], [sflag:$0x3] =	stream.linear.gather [hbm4b:s19+s2], $0x280, $0x38;
	[tilespmem:$0xB2C0] =	vst v63  }
0x46: {  	p0 =	sne.s32 s1, $0x2D0;
	_ =	swait.ge [sflag:s14], $0x280  }
0x47: {  	[sflag:s14] =	ssyncset.done $0x0  }
0x48: {  	[sflag:s14] =	ssyncadd.s32 $0xFFFFFD80  }
0x49: {  	[tilespmem:s20], [sflag:$0x1] =	stream.indirect.gather [hbm4b:s3+s18], $0x40, s2, s18, $0xb8;
	[tilespmem:$0xB2C0] =	vst v63  }
0x4a: {  	_ = 	snop  }
0x4b: {  	[tilespmem:s21], [sflag:$0x1] =	stream.indirect.gather [hbm4b:s3+s18], $0x40, s18, s18, $0xb8;
	[tilespmem:$0xB2C0] =	vst v63  }
0x4c: {  	_ = 	snop  }
0x4d: {  	[tilespmem:s23], [sflag:$0x1] =	stream.indirect.gather [hbm4b:s3+s18], $0x40, s22, s18, $0xb8;
	[tilespmem:$0xB2C0] =	vst v63  }
0x4e: {  	_ = 	snop  }
0x4f: {  	[tilespmem:s25], [sflag:$0x1] =	stream.indirect.gather [hbm4b:s3+s18], $0x40, s24, s18, $0xb8;
	[tilespmem:$0xB2C0] =	vst v63  }
0x50: {  	_ = 	snop  }
0x51: {  	[tilespmem:s28], [sflag:$0x1] =	stream.indirect.gather [hbm4b:s3+s18], $0x40, s26, s18, $0xb8;
	[tilespmem:$0xB2C0] =	vst v63  }
0x52: {  	_ =	swait.ge [sflag:s29], $0x2000  }
0x53: {  	[sflag:s29] =	ssyncset.done $0x0  }
0x54: {  	[sflag:s29] =	ssyncadd.s32 $0xFFFFE000  }
0x55: {  	_ =	swait.ge [sflag:s29], $0x2000  }
0x56: {  	[sflag:s29] =	ssyncset.done $0x0  }
0x57: {  	[sflag:s29] =	ssyncadd.s32 $0xFFFFE000  }
0x58: {  	_ =	swait.ge [sflag:s29], $0x2000  }
0x59: {  	[sflag:s29] =	ssyncset.done $0x0  }
0x5a: {  	[sflag:s29] =	ssyncadd.s32 $0xFFFFE000  }
0x5b: {  	_ =	swait.ge [sflag:s29], $0x2000  }
0x5c: {  	[sflag:s29] =	ssyncset.done $0x0  }
0x5d: {  	[sflag:s29] =	ssyncadd.s32 $0xFFFFE000  }
0x5e: {  	_ =	swait.ge [sflag:s29], $0x2000  }
.Ltmp0:
0x5f: {  	[sflag:s29] =	ssyncset.done $0x0;
	(pc) =	sbr.rel @p0 .LBB2_2-.Ltmp0, $4  }
0x60: {  	[sflag:s29] =	ssyncadd.s32 $0xFFFFE000  }
0x61: {  	[hbm4b:s31+s15] =	stream.strided.scatter [tilespmem:s20], [sflag:$0x3], $0xA000, s18, s15, $0x38;
	[tilespmem:$0xB2C0] =	vst v63  }
0x62: {  	_ =	swait.ge [sflag:s14], $0xA000  }
0x63: {  	s1 =	smov.u32 s4;
	s31 =	sadd.s32 $0x2800, s31;
	[sflag:s14] =	ssyncset.done $0x0  }
0x64: {  	s0 =	sadd.s32 s0, s10;
	[sflag:s14] =	ssyncadd.s32 $0xFFFF6000  }
0x65: {  	[tilespmem:s2], [sflag:$0x3] =	stream.linear.gather [hbm4b:s0+s2], $0x280, $0x38;
	[tilespmem:$0xB2C0] =	vst v63  }
0x66: {  	_ =	swait.ge [sflag:s14], $0x280  }
0x67: {  	[sflag:s14] =	ssyncset.done $0x0  }
0x68: {  	[sflag:s14] =	ssyncadd.s32 $0xFFFFFD80  }
0x69: {  	[tilespmem:s20], [sflag:$0x1] =	stream.indirect.gather [hbm4b:s3+s18], $0x40, s2, s18, $0xb8;
	[tilespmem:$0xB2C0] =	vst v63  }
0x6a: {  	_ = 	snop  }
0x6b: {  	[tilespmem:s21], [sflag:$0x1] =	stream.indirect.gather [hbm4b:s3+s18], $0x40, s18, s18, $0xb8;
	[tilespmem:$0xB2C0] =	vst v63  }
0x6c: {  	_ = 	snop  }
0x6d: {  	[tilespmem:s23], [sflag:$0x1] =	stream.indirect.gather [hbm4b:s3+s18], $0x40, s22, s18, $0xb8;
	[tilespmem:$0xB2C0] =	vst v63  }
0x6e: {  	_ = 	snop  }
0x6f: {  	[tilespmem:s25], [sflag:$0x1] =	stream.indirect.gather [hbm4b:s3+s18], $0x40, s24, s18, $0xb8;
	[tilespmem:$0xB2C0] =	vst v63  }
0x70: {  	_ = 	snop  }
0x71: {  	[tilespmem:s28], [sflag:$0x1] =	stream.indirect.gather [hbm4b:s3+s18], $0x40, s26, s18, $0xb8;
	[tilespmem:$0xB2C0] =	vst v63  }
0x72: {  	_ =	swait.ge [sflag:s29], $0x2000  }
0x73: {  	[sflag:s29] =	ssyncset.done $0x0  }
0x74: {  	[sflag:s29] =	ssyncadd.s32 $0xFFFFE000  }
0x75: {  	_ =	swait.ge [sflag:s29], $0x2000  }
0x76: {  	[sflag:s29] =	ssyncset.done $0x0  }
0x77: {  	[sflag:s29] =	ssyncadd.s32 $0xFFFFE000  }
0x78: {  	_ =	swait.ge [sflag:s29], $0x2000  }
0x79: {  	[sflag:s29] =	ssyncset.done $0x0  }
0x7a: {  	[sflag:s29] =	ssyncadd.s32 $0xFFFFE000  }
0x7b: {  	_ =	swait.ge [sflag:s29], $0x2000  }
0x7c: {  	[sflag:s29] =	ssyncset.done $0x0  }
0x7d: {  	[sflag:s29] =	ssyncadd.s32 $0xFFFFE000  }
0x7e: {  	_ =	swait.ge [sflag:s29], $0x2000  }
0x7f: {  	[sflag:s29] =	ssyncset.done $0x0  }
0x80: {  	[sflag:s29] =	ssyncadd.s32 $0xFFFFE000  }
0x81: {  	[hbm4b:s31+s15] =	stream.strided.scatter [tilespmem:s20], [sflag:$0x3], $0xA000, s18, s15, $0x38;
	[tilespmem:$0xB2C0] =	vst v63  }
0x82: {  	_ =	swait.ge [sflag:s14], $0xA000  }
0x83: {  	[sflag:s14] =	ssyncset.done $0x0  }
0x84: {  	s19 =	sadd.s32 $0x20, s12;
	[sflag:s14] =	ssyncadd.s32 $0xFFFF6000  }
0x85: {  	[tilespmem:s2], [sflag:$0x3] =	stream.linear.gather [hbm4b:s19+s2], $0x280, $0x38;
	[tilespmem:$0xB2C0] =	vst v63  }
0x86: {  	_ =	swait.ge [sflag:s14], $0x280  }
0x87: {  	[sflag:s14] =	ssyncset.done $0x0  }
0x88: {  	[sflag:s14] =	ssyncadd.s32 $0xFFFFFD80  }
0x89: {  	[tilespmem:s20], [sflag:$0x1] =	stream.indirect.gather [hbm4b:s3+s18], $0x40, s2, s18, $0xb8;
	[tilespmem:$0xB2C0] =	vst v63  }
0x8a: {  	_ = 	snop  }
0x8b: {  	[tilespmem:s21], [sflag:$0x1] =	stream.indirect.gather [hbm4b:s3+s18], $0x40, s18, s18, $0xb8;
	[tilespmem:$0xB2C0] =	vst v63  }
0x8c: {  	_ = 	snop  }
0x8d: {  	[tilespmem:s23], [sflag:$0x1] =	stream.indirect.gather [hbm4b:s3+s18], $0x40, s22, s18, $0xb8;
	[tilespmem:$0xB2C0] =	vst v63  }
0x8e: {  	_ = 	snop  }
0x8f: {  	[tilespmem:s25], [sflag:$0x1] =	stream.indirect.gather [hbm4b:s3+s18], $0x40, s24, s18, $0xb8;
	[tilespmem:$0xB2C0] =	vst v63  }
0x90: {  	_ = 	snop  }
0x91: {  	[tilespmem:s28], [sflag:$0x1] =	stream.indirect.gather [hbm4b:s3+s18], $0x40, s26, s18, $0xb8;
	[tilespmem:$0xB2C0] =	vst v63  }
0x92: {  	_ =	swait.ge [sflag:s29], $0x2000  }
0x93: {  	[sflag:s29] =	ssyncset.done $0x0  }
0x94: {  	[sflag:s29] =	ssyncadd.s32 $0xFFFFE000  }
0x95: {  	_ =	swait.ge [sflag:s29], $0x2000  }
0x96: {  	[sflag:s29] =	ssyncset.done $0x0  }
0x97: {  	[sflag:s29] =	ssyncadd.s32 $0xFFFFE000  }
0x98: {  	_ =	swait.ge [sflag:s29], $0x2000  }
0x99: {  	[sflag:s29] =	ssyncset.done $0x0  }
0x9a: {  	[sflag:s29] =	ssyncadd.s32 $0xFFFFE000  }
0x9b: {  	_ =	swait.ge [sflag:s29], $0x2000  }
0x9c: {  	[sflag:s29] =	ssyncset.done $0x0  }
0x9d: {  	[sflag:s29] =	ssyncadd.s32 $0xFFFFE000  }
0x9e: {  	_ =	swait.ge [sflag:s29], $0x2000  }
0x9f: {  	[sflag:s29] =	ssyncset.done $0x0  }
0xa0: {  	[sflag:s29] =	ssyncadd.s32 $0xFFFFE000  }
0xa1: {  	[hbm4b:s11+s15] =	stream.strided.scatter [tilespmem:s20], [sflag:$0x3], $0xA000, s18, s15, $0x38;
	[tilespmem:$0xB2C0] =	vst v63  }
0xa2: {  	s1 =	simm.s32 $0xC0;
	_ =	swait.ge [sflag:s14], $0xA000  }
0xa3: {  	s0 =	simm.s32 $0x70;
	s31 =	sadd.s32 $0x2800, s11;
	[sflag:s14] =	ssyncset.done $0x0  }
.LBB2_4:
0xa4: {  	s4 =	sadd.s32 s0, s12  }
0xa5: {  	[sflag:s14] =	ssyncadd.s32 $0xFFFF6000;
	s0 =	smov.u32 s1;
	s19 =	sadd.s32 $0x50, s1  }
0xa6: {  	[tilespmem:s2], [sflag:$0x3] =	stream.linear.gather [hbm4b:s4+s2], $0x280, $0x38;
	[tilespmem:$0xB2C0] =	vst v63  }
0xa7: {  	p0 =	sne.s32 s1, $0x2F0;
	_ =	swait.ge [sflag:s14], $0x280  }
0xa8: {  	[sflag:s14] =	ssyncset.done $0x0  }
0xa9: {  	[sflag:s14] =	ssyncadd.s32 $0xFFFFFD80  }
0xaa: {  	[tilespmem:s20], [sflag:$0x1] =	stream.indirect.gather [hbm4b:s3+s18], $0x40, s2, s18, $0xb8;
	[tilespmem:$0xB2C0] =	vst v63  }
0xab: {  	_ = 	snop  }
0xac: {  	[tilespmem:s21], [sflag:$0x1] =	stream.indirect.gather [hbm4b:s3+s18], $0x40, s18, s18, $0xb8;
	[tilespmem:$0xB2C0] =	vst v63  }
0xad: {  	_ = 	snop  }
0xae: {  	[tilespmem:s23], [sflag:$0x1] =	stream.indirect.gather [hbm4b:s3+s18], $0x40, s22, s18, $0xb8;
	[tilespmem:$0xB2C0] =	vst v63  }
0xaf: {  	_ = 	snop  }
0xb0: {  	[tilespmem:s25], [sflag:$0x1] =	stream.indirect.gather [hbm4b:s3+s18], $0x40, s24, s18, $0xb8;
	[tilespmem:$0xB2C0] =	vst v63  }
0xb1: {  	_ = 	snop  }
0xb2: {  	[tilespmem:s28], [sflag:$0x1] =	stream.indirect.gather [hbm4b:s3+s18], $0x40, s26, s18, $0xb8;
	[tilespmem:$0xB2C0] =	vst v63  }
0xb3: {  	_ =	swait.ge [sflag:s29], $0x2000  }
0xb4: {  	[sflag:s29] =	ssyncset.done $0x0  }
0xb5: {  	[sflag:s29] =	ssyncadd.s32 $0xFFFFE000  }
0xb6: {  	_ =	swait.ge [sflag:s29], $0x2000  }
0xb7: {  	[sflag:s29] =	ssyncset.done $0x0  }
0xb8: {  	[sflag:s29] =	ssyncadd.s32 $0xFFFFE000  }
0xb9: {  	_ =	swait.ge [sflag:s29], $0x2000  }
0xba: {  	[sflag:s29] =	ssyncset.done $0x0  }
0xbb: {  	[sflag:s29] =	ssyncadd.s32 $0xFFFFE000  }
0xbc: {  	_ =	swait.ge [sflag:s29], $0x2000  }
0xbd: {  	[sflag:s29] =	ssyncset.done $0x0  }
0xbe: {  	[sflag:s29] =	ssyncadd.s32 $0xFFFFE000  }
0xbf: {  	_ =	swait.ge [sflag:s29], $0x2000  }
.Ltmp1:
0xc0: {  	[sflag:s29] =	ssyncset.done $0x0;
	(pc) =	sbr.rel @p0 .LBB2_4-.Ltmp1, $4  }
0xc1: {  	[sflag:s29] =	ssyncadd.s32 $0xFFFFE000  }
0xc2: {  	[hbm4b:s31+s15] =	stream.strided.scatter [tilespmem:s20], [sflag:$0x3], $0xA000, s18, s15, $0x38;
	[tilespmem:$0xB2C0] =	vst v63  }
0xc3: {  	_ =	swait.ge [sflag:s14], $0xA000  }
0xc4: {  	s1 =	smov.u32 s19;
	s31 =	sadd.s32 $0x2800, s31;
	[sflag:s14] =	ssyncset.done $0x0  }
0xc5: {  	s0 =	sadd.s32 s0, s12;
	[sflag:s14] =	ssyncadd.s32 $0xFFFF6000  }
0xc6: {  	[tilespmem:s2], [sflag:$0x3] =	stream.linear.gather [hbm4b:s0+s2], $0x280, $0x38;
	[tilespmem:$0xB2C0] =	vst v63  }
0xc7: {  	_ =	swait.ge [sflag:s14], $0x280  }
0xc8: {  	[sflag:s14] =	ssyncset.done $0x0  }
0xc9: {  	[sflag:s14] =	ssyncadd.s32 $0xFFFFFD80  }
0xca: {  	[tilespmem:s20], [sflag:$0x1] =	stream.indirect.gather [hbm4b:s3+s18], $0x40, s2, s18, $0xb8;
	[tilespmem:$0xB2C0] =	vst v63  }
0xcb: {  	_ = 	snop  }
0xcc: {  	[tilespmem:s21], [sflag:$0x1] =	stream.indirect.gather [hbm4b:s3+s18], $0x40, s18, s18, $0xb8;
	[tilespmem:$0xB2C0] =	vst v63  }
0xcd: {  	_ = 	snop  }
0xce: {  	[tilespmem:s23], [sflag:$0x1] =	stream.indirect.gather [hbm4b:s3+s18], $0x40, s22, s18, $0xb8;
	[tilespmem:$0xB2C0] =	vst v63  }
0xcf: {  	_ = 	snop  }
0xd0: {  	[tilespmem:s25], [sflag:$0x1] =	stream.indirect.gather [hbm4b:s3+s18], $0x40, s24, s18, $0xb8;
	[tilespmem:$0xB2C0] =	vst v63  }
0xd1: {  	_ = 	snop  }
0xd2: {  	[tilespmem:s28], [sflag:$0x1] =	stream.indirect.gather [hbm4b:s3+s18], $0x40, s26, s18, $0xb8;
	[tilespmem:$0xB2C0] =	vst v63  }
0xd3: {  	_ =	swait.ge [sflag:s29], $0x2000  }
0xd4: {  	[sflag:s29] =	ssyncset.done $0x0  }
0xd5: {  	[sflag:s29] =	ssyncadd.s32 $0xFFFFE000  }
0xd6: {  	_ =	swait.ge [sflag:s29], $0x2000  }
0xd7: {  	[sflag:s29] =	ssyncset.done $0x0  }
0xd8: {  	[sflag:s29] =	ssyncadd.s32 $0xFFFFE000  }
0xd9: {  	_ =	swait.ge [sflag:s29], $0x2000  }
0xda: {  	[sflag:s29] =	ssyncset.done $0x0  }
0xdb: {  	[sflag:s29] =	ssyncadd.s32 $0xFFFFE000  }
0xdc: {  	_ =	swait.ge [sflag:s29], $0x2000  }
0xdd: {  	[sflag:s29] =	ssyncset.done $0x0  }
0xde: {  	[sflag:s29] =	ssyncadd.s32 $0xFFFFE000  }
0xdf: {  	s30 =	sadd.s32 $0x1, s30;
	_ =	swait.ge [sflag:s29], $0x2000  }
0xe0: {  	p0 =	sne.s32 s30, s8;
	[sflag:s29] =	ssyncset.done $0x0  }
.Ltmp2:
0xe1: {  	[sflag:s29] =	ssyncadd.s32 $0xFFFFE000;
	(pc) =	sbr.rel @p0 .LBB2_1-.Ltmp2, $4  }
0xe2: {  	[hbm4b:s31+s15] =	stream.strided.scatter [tilespmem:s20], [sflag:$0x3], $0xA000, s18, s15, $0x38;
	[tilespmem:$0xB2C0] =	vst v63  }
0xe3: {  	_ =	swait.ge [sflag:s14], $0xA000  }
0xe4: {  	[sflag:s14] =	ssyncset.done $0x0  }
0xe5: {  	[sflag:s14] =	ssyncadd.s32 $0xFFFF6000  }
0xe6: {  	_ =	sfence.sel $0x180000  }
0xe7: {  	[bflag:$0x0] =	sbarrier.arrive $0xFFFF  }
0xe8: {  	_ =	strace $0x9000004A  }
0xe9: {  	s0 =	stileid.u32;
	[bflag:$0x2] =	sbarrier.arrive $0xFFFF  }
0xea: {  	p0 =	sne.s32 s0, $0x0;
	s0 =	rddreg [dreg:$0x1]  }
0xeb: {  	s0 =	sadd.s32 @!p0 $0x100000, s0  }
0xec: {  	[sflag:s0] =	ssyncadd.tile.s32 @!p0 $0x1;
	_ =	shalt  }
.Lfunc_end2:
_tile_overlayer_lowered:
.L_overlay_start_2:
0xed: {  	(tag) =	ssettag $0x2  }
0xee: {  	s0 =	rddreg [dreg:$0x0];
	s2 =	stileid.u32  }
0xef: {  	s1 =	rddreg [dreg:$0x1];
	p0 =	sne.s32 s2, $0x0  }
0xf0: {  	s3 =	rddreg [dreg:$0x2];
	[bflag:$0x3] =	sbarrier.arrive $0xFFFF;
	s2 =	simm.s32 @!p0 $0x1C03  }
0xf1: {  	[timem:s3], [sflag:s2] =	dma.local @!p0 [hbm:s0], s1  }
0xf2: {  	s0 =	simm.s32 @!p0 $0x3  }
0xf3: {  	_ =	swait.ge @!p0 [sflag:s0], s1  }
0xf4: {  	s1 =	ssub.s32 @!p0 $0x0, s1;
	[sflag:s0] =	ssyncset.done @!p0 $0x0  }
0xf5: {  	[sflag:s0] =	ssyncadd.s32 @!p0 s1  }
0xf6: {  	[bflag:$0x3] =	sbarrier.arrive $0xFFFF  }
0xf7: {  	_ =	shalt  }

// kernel: kernel.9.cloned.1.call-start
scs
__scs_entry_jumppad:
0x0: {  	(pc) =	sbr.rel $0x88, $3  }
0x1: {  	(tag) =	ssettag $0x0;
	lr =	simm.s32 $0x1  }
0x2: {  	[smem:$0x3F98] =	sst lr;
	_ =	strace $0xD0000000  }
0x3: {  	_ = 	snop  }
0x4: {  	_ = 	snop  }
0x5: {  	_ = 	snop  }
0x6: {  	_ = 	snop  }
0x7: {  	_ = 	snop  }
__scs_overlays_trampoline_lowered:
0x8: {  	[smem:$0x3FA7] =	sst s0  }
0x9: {  	[smem:$0x3FA8] =	sst s1  }
0xa: {  	[smem:$0x3FA9] =	sst s2  }
0xb: {  	[smem:$0x3FAA] =	sst s3  }
0xc: {  	[smem:$0x3FAB] =	sst s4  }
0xd: {  	[smem:$0x3FAC] =	sst s5  }
0xe: {  	[smem:$0x3FAD] =	sst s6  }
0xf: {  	[smem:$0x3FAE] =	sst s7  }
0x10: {  	[smem:$0x3FAF] =	sst s8  }
0x11: {  	[smem:$0x3FB0] =	sst s9;
	s0 =	simm.s32 @!p0 $0x0  }
0x12: {  	s1 =	sld [smem:$0x3F96];
	s0 =	simm.s32 @p0 $0x1  }
0x13: {  	[smem:$0x3FB1] =	sst s0;
	s0 =	simm.s32 @!p1 $0x0  }
0x14: {  	s2 =	sld [smem:$0x3F95];
	s0 =	simm.s32 @p1 $0x1  }
0x15: {  	[smem:$0x3FB2] =	sst s0;
	s0 =	simm.s32 @!p2 $0x0  }
0x16: {  	s3 =	sld [smem:$0x3FDB];
	s0 =	simm.s32 @p2 $0x1  }
0x17: {  	s4 =	simm.s32 $0x1BF5;
	[smem:$0x3FB4] =	sst s0  }
0x18: {  	s0 =	sld [smem:$0x3F97];
	_ =	swait.ge [sflag:s4], $0x0  }
0x19: {  	s7 =	sld [smem:$0x3F98]  }
0x1a: {  	s8 =	sadd.s32 $0xFFFFE003, lr  }
0x1b: {  	s9 =	sadd.s32 $0xFFFFFEF7, lr;
	s5 =	simm.s32 $0xFFFFFFFF;
	p2 =	slt.u32 s8, $0xFFFFF086  }
0x1c: {  	p1 =	slt.u32 s9, $0xF7A;
	s5 =	simm.s32 @!p2 $0x0  }
0x1d: {  	s5 =	simm.s32 @p1 $0x1;
	p0 =	seq.s32 s7, s2  }
0x1e: {  	s7 =	smul.u32 @!p0 $0xF7A, s2;
	p2 =	seq.s32 @!p0 s5, $0x0  }
0x1f: {  	s9 =	smul.u32 $0xF7A, s1;
	s8 =	simm.s32 @!p0 $0x1BF5;
	p2 =	por !p2, p0  }
0x20: {  	[sflag:s8] =	ssyncset.s32 @!p0 $0xFFFFF086;
	s6 =	sadd.s32 @!p0 s3, s7;
	s7 =	simm.s32 @!p0 $0x108  }
0x21: {  	s3 =	sadd.s32 s3, s9;
	s6 =	sadd.s32 @!p0 $0x88, s6;
	s7 =	simm.s32 @p2 $0x1082  }
0x22: {  	[simem:s7], [sflag:s8] =	dma.local @!p0 [hbm:s6], $0xF7A  }
0x23: {  	s9 =	sor.u32 $0xD0000000, s2;
	s6 =	simm.s32 $0x108;
	_ =	swait.ge @!p0 [sflag:s8], $0x0  }
0x24: {  	s3 =	sadd.s32 $0x88, s3;
	s6 =	simm.s32 @!p1 $0x1082;
	[sflag:s4] =	ssyncset.s32 $0xFFFFF086  }
0x25: {  	[simem:s6], [sflag:s4] =	dma.local [hbm:s3], $0xF7A  }
0x26: {  	[smem:$0x3F98] =	sst s1;
	(tag) =	ssettag s2;
	_ =	strace s9  }
0x27: {  	s1 =	sld [smem:$0x3FA8]  }
0x28: {  	s2 =	sld [smem:$0x3FA9]  }
0x29: {  	s4 =	sld [smem:$0x3FAB]  }
0x2a: {  	p0 =	seq.s32 s5, $0x0;
	s5 =	sld [smem:$0x3FAC]  }
0x2b: {  	s6 =	sld [smem:$0x3FAD]  }
0x2c: {  	s7 =	sld [smem:$0x3FAE]  }
0x2d: {  	s3 =	simm.s32 $0x108;
	s8 =	sld [smem:$0x3FAF]  }
0x2e: {  	s3 =	simm.s32 @!p0 $0x1082;
	s9 =	sld [smem:$0x3FB0]  }
0x2f: {  	lr =	sadd.s32 s0, s3;
	s0 =	sld [smem:$0x3FA7]  }
0x30: {  	s3 =	sld [smem:$0x3FAA]  }
0x31: {  	[smem:$0x3FB3] =	sst s10  }
0x32: {  	s10 =	sld [smem:$0x3FB1];
	_ =	sdelay $0x3  }
0x33: {  	p0 =	seq.s32 s10, $0x1;
	s10 =	sld [smem:$0x3FB3];
	_ =	sdelay $0x3  }
0x34: {  	[smem:$0x3FB3] =	sst s10  }
0x35: {  	s10 =	sld [smem:$0x3FB2];
	_ =	sdelay $0x3  }
0x36: {  	p1 =	seq.s32 s10, $0x1;
	s10 =	sld [smem:$0x3FB3];
	_ =	sdelay $0x3  }
0x37: {  	[smem:$0x3FB3] =	sst s10  }
0x38: {  	s10 =	sld [smem:$0x3FB4]  }
0x39: {  	_ = 	snop;
	(pc) =	sbr.ind lr, $3  }
0x3a: {  	_ = 	snop  }
0x3b: {  	_ = 	snop  }
0x3c: {  	p2 =	seq.s32 s10, $0x1;
	s10 =	sld [smem:$0x3FB3]  }
0x3d: {  	_ =	shalt  }
0x3e: {  	_ =	shalt  }
0x3f: {  	_ =	shalt  }
0x40: {  	_ =	shalt  }
0x41: {  	_ =	shalt  }
0x42: {  	_ =	shalt  }
0x43: {  	_ =	shalt  }
0x44: {  	_ =	shalt  }
0x45: {  	_ =	shalt  }
0x46: {  	_ =	shalt  }
0x47: {  	_ =	shalt  }
0x48: {  	_ =	shalt  }
0x49: {  	_ =	shalt  }
0x4a: {  	_ =	shalt  }
0x4b: {  	_ =	shalt  }
0x4c: {  	_ =	shalt  }
0x4d: {  	_ =	shalt  }
0x4e: {  	_ =	shalt  }
0x4f: {  	_ =	shalt  }
0x50: {  	_ =	shalt  }
0x51: {  	_ =	shalt  }
0x52: {  	_ =	shalt  }
0x53: {  	_ =	shalt  }
0x54: {  	_ =	shalt  }
0x55: {  	_ =	shalt  }
0x56: {  	_ =	shalt  }
0x57: {  	_ =	shalt  }
0x58: {  	_ =	shalt  }
0x59: {  	_ =	shalt  }
0x5a: {  	_ =	shalt  }
0x5b: {  	_ =	shalt  }
0x5c: {  	_ =	shalt  }
0x5d: {  	_ =	shalt  }
0x5e: {  	_ =	shalt  }
0x5f: {  	_ =	shalt  }
0x60: {  	_ =	shalt  }
0x61: {  	_ =	shalt  }
0x62: {  	_ =	shalt  }
0x63: {  	_ =	shalt  }
0x64: {  	_ =	shalt  }
0x65: {  	_ =	shalt  }
0x66: {  	_ =	shalt  }
0x67: {  	_ =	shalt  }
0x68: {  	_ =	shalt  }
0x69: {  	_ =	shalt  }
0x6a: {  	_ =	shalt  }
0x6b: {  	_ =	shalt  }
0x6c: {  	_ =	shalt  }
0x6d: {  	_ =	shalt  }
0x6e: {  	_ =	shalt  }
0x6f: {  	_ =	shalt  }
0x70: {  	_ =	shalt  }
0x71: {  	_ =	shalt  }
0x72: {  	_ =	shalt  }
0x73: {  	_ =	shalt  }
0x74: {  	_ =	shalt  }
0x75: {  	_ =	shalt  }
0x76: {  	_ =	shalt  }
0x77: {  	_ =	shalt  }
0x78: {  	_ =	shalt  }
0x79: {  	_ =	shalt  }
0x7a: {  	_ =	shalt  }
0x7b: {  	_ =	shalt  }
0x7c: {  	_ =	shalt  }
0x7d: {  	_ =	shalt  }
0x7e: {  	_ =	shalt  }
0x7f: {  	_ =	shalt  }
0x80: {  	_ =	shalt  }
0x81: {  	_ =	shalt  }
0x82: {  	_ =	shalt  }
0x83: {  	_ =	shalt  }
0x84: {  	_ =	shalt  }
0x85: {  	_ =	shalt  }
0x86: {  	_ =	shalt  }
0x87: {  	_ =	shalt  }
.Lfunc_end0:
.L_simem_size_0:
called_computation.1_lowered:
.L_overlay_start_0:
0x88: {  	s2 =	sld [smem:$0x3FD9]  }
0x89: {  	s3 =	sld [smem:$0x3FFE];
	_ =	sdelay $0x1  }
0x8a: {  	s1 =	srdreg.scid  }
0x8b: {  	s0 =	sand.u32 $0x1, s1  }
0x8c: {  	s16 =	sshll.u32 s0, $0xA;
	s2 =	sadd.s32 s3, s2  }
0x8d: {  	s2 =	sadd.s32 s2, s16  }
0x8e: {  	[smem:$0x3FBF] =	sst s2  }
0x8f: {  	_ = 	snop  }
0x90: {  	(tm) =	ssettm $0x1  }
0x91: {  	s17 =	sld [smem:$0x3FFB];
	_ =	sdelay $0x3  }
0x92: {  	_ =	strace s17  }
0x93: {  	s2 =	sld [smem:$0x3FFC];
	_ =	sdelay $0x3  }
0x94: {  	_ =	strace s2  }
0x95: {  	s2 =	sld [smem:$0x3FFD];
	_ =	sdelay $0x3  }
0x96: {  	_ =	strace s2  }
0x97: {  	_ =	strace $0x8FFFFFFF  }
0x98: {  	s18 =	sld [smem:$0x3FDB];
	_ =	sdelay $0x1  }
0x99: {  	s19 =	simm.s32 $_scs_section_size  }
0x9a: {  	s4 =	simm.s32 $_size__tile_overlayer_lowered;
	s5 =	simm.s32 $_tile_overlayer_lowered  }
0x9b: {  	s22 =	simm.s32 $0x1BFF;
	s21 =	sshll.u32 s5, $0x1;
	s2 =	sadd.s32 s19, s18  }
0x9c: {  	s6 =	simm.s32 $0x0;
	s20 =	sshll.u32 s4, $0x1;
	s4 =	sadd.s32 s21, s2  }
0x9d: {  	[timem:s6], [sflag:s22] =	dma.local [hbm:s4], s20  }
0x9e: {  	_ =	swait.ge [sflag:s22], s20  }
0x9f: {  	s3 =	ssub.s32 $0x0, s20;
	[sflag:s22] =	ssyncset.done $0x0  }
0xa0: {  	[sflag:s22] =	ssyncadd.s32 s3;
	_ =	sdelay $0x1  }
0xa1: {  	s23 =	simm.s32 $0x1B8B  }
0xa2: {  	_ =	swait.ge [sflag:s23], $0x1  }
0xa3: {  	[sflag:s23] =	ssyncset.done $0x0  }
0xa4: {  	s25 =	simm.s32 $0x1B8E;
	s24 =	sld [smem:$0x3FFE];
	[sflag:s23] =	ssyncadd.s32 $0xFFFFFFFF  }
0xa5: {  	s26 =	simm.s32 $execute0_lowered;
	[smem:$0x3FD2] =	sst s25  }
0xa6: {  	s4 =	sshll.u32 s26, $0x1;
	_ =	strace $0x80000046;
	[dreg:$0x1] =	wrdreg $0xFFFFFFFF  }
0xa7: {  	s28 =	simm.s32 $_size_execute0_lowered;
	s2 =	sadd.s32 s2, s4;
	[dreg:$0x0] =	wrdreg $0x0  }
0xa8: {  	s4 =	sshll.u32 s28, $0x1;
	[dreg:$0x2] =	wrdreg s2  }
0xa9: {  	[dreg:$0x3] =	wrdreg s4  }
0xaa: {  	[dreg:$0x4] =	wrdreg $0xC0  }
0xab: {  	_ =	task [dreg:s6], $0x5FFFF  }
0xac: {  	[dreg:$0x1] =	wrdreg $0xFFFFFFFF  }
0xad: {  	[dreg:$0x0] =	wrdreg $0x60  }
0xae: {  	[dreg:$0x2] =	wrdreg s24  }
0xaf: {  	[dreg:$0x3] =	wrdreg $0xA  }
0xb0: {  	_ =	task.clear_ibuf [dreg:s6], $0x4FFFF;
	_ =	strace $0x90000046  }
0xb1: {  	s29 =	simm.s32 $0xA;
	_ =	strace $0x80000048  }
0xb2: {  	_ =	swait.ge [sflag:s29], $0x1  }
0xb3: {  	[sflag:s29] =	ssyncadd.s32 $0xFFFFFFFF  }
0xb4: {  	_ =	strace $0x90000048  }
0xb5: {  	_ =	sfence  }
0xb6: {  	s30 =	sld [smem:$0x0];
	_ =	sdelay $0x2  }
0xb7: {  	s31 =	sshll.u32 s1, $0xD;
	s1 =	sshrl.u32 s1, $0x2  }
0xb8: {  	s3 =	sand.u32 $0x4000, s31;
	s1 =	sadd.s32 s1, s30  }
0xb9: {  	s0 =	sor.u32 s3, s0;
	s1 =	sshll.u32 s1, $0x11  }
0xba: {  	s0 =	sor.u32 s1, s0  }
0xbb: {  	s0 =	sadd.s32 $0x8F2B, s0  }
0xbc: {  	[sflag:s0] =	ssyncadd.remote.s32 $0x1  }
0xbd: {  	_ =	sfence.sel $0xFFFF  }
0xbe: {  	[dreg:$0x0] =	wrdreg $0xFFFFFFFF;
	(pc) =	sbr.abs _section_cstart, $3  }
0xbf: {  	[dreg:$0x1] =	wrdreg $0xFFFFFFFF  }
0xc0: {  	_ =	task.clear_ibuf [dreg:s6], $0x2FFFF;
	_ =	strace $0x9FFFFFFF  }
0xc1: {  	(tm) =	ssettm $0x7FFFFFFF  }
tec
execute0_lowered:
.L_overlay_start_1:
0x0: {  	(tag) =	ssettag $0x1  }
0x1: {  	s0 =	rddreg [dreg:$0x0];
	s2 =	simm.s32 $0x0  }
0x2: {  	s1 =	srdreg.scid;
	s14 =	stileid.u32;
	s15 =	simm.s32 $0x40  }
0x3: {  	s16 =	simm.s32 $0xA2C0;
	s17 =	simm.s32 $0x2;
	s18 =	simm.s32 $0x80  }
0x4: {  	s20 =	simm.s32 $0x280;
	s21 =	simm.s32 $0x2280;
	s28 =	simm.s32 $0x8280  }
0x5: {  	s29 =	simm.s32 $0x1;
	s30 =	simm.s32 $0x0;
	[smem:$0x7FF] =	sst s2  }
0x6: {  	s1 =	sand.u32 $0x1, s1;
	s4 =	sshll.u32 s14, $0x1;
	s6 =	smul.u32 $0x32000, s14  }
0x7: {  	s3 =	sadd.s32 $0x18BA00, s0;
	s12 =	sadd.s32 $0x5400, s0;
	s11 =	smul.u32 $0xC8, s14  }
0x8: {  	s22 =	sadd.s32 $0x24F000, s0;
	s24 =	smul.u32 $0xC80, s14;
	s14 =	simm.s32 $0x3  }
0x9: {  	_ =	strace $0x80000047;
	s5 =	sor.u32 s1, s4;
	s10 =	smul.u32 $0x19000, s1  }
0xa: {  	[dreg:$0x2] =	wrdreg s22;
	s23 =	ssub.s32 $0x2, s1;
	s13 =	smul.u32 $0x64, s1  }
0xb: {  	s1 =	smul.u32 $0x640, s1;
	s22 =	simm.s32 $0x100;
	s7 =	sshll.u32 s5, $0x3  }
0xc: {  	s9 =	sadd.s32 s6, s0;
	s5 =	sshll.u32 s5, $0x9;
	s8 =	sshrl.u32 s23, $0x1  }
0xd: {  	s7 =	sadd.s32 s7, s0;
	s0 =	sadd.s32 s5, s0;
	s8 =	ssub.s32 s23, s8  }
0xe: {  	s25 =	sadd.s32 s10, s9;
	s26 =	sadd.s32 s13, s11;
	s23 =	simm.s32 $0x4280  }
0xf: {  	s5 =	sadd.s32 $0x5000, s7;
	s6 =	sadd.s32 $0x11C00, s0;
	s7 =	sadd.s32 $0x11C08, s0  }
0x10: {  	s8 =	smax.u32 s8, $0x1;
	s9 =	sadd.s32 $0x312600, s25;
	s0 =	sadd.s32 s24, s12  }
0x11: {  	s13 =	sshll.u32 s26, $0x4;
	s11 =	sadd.s32 $0x312608, s25;
	s24 =	simm.s32 $0x180  }
0x12: {  	s25 =	simm.s32 $0x6280;
	s26 =	simm.s32 $0x200;
	s31 =	sadd.s32 s12, s13  }
0x13: {  	s10 =	sadd.s32 s1, s0;
	s13 =	simm.s32 $0xA280;
	s12 =	sadd.s32 $0x300, s31  }
.LBB2_1:
0x14: {  	[tilespmem:s13], [sflag:$0x3] =	stream.linear.gather [hbm4b:s5+s2], $0x40, $0x38;
	[tilespmem:$0xB2C0] =	vst v63  }
0x15: {  	_ =	swait.ge [sflag:s14], $0x40  }
0x16: {  	[sflag:s14] =	ssyncset.done $0x0  }
0x17: {  	s0 =	rddreg [dreg:$0x2];
	[sflag:s14] =	ssyncadd.s32 $0xFFFFFFC0  }
0x18: {  	[tilespmem:s16], [sflag:$0x2] =	stream.indirect.gather [hbm4b:s0+s15], $0x40, s13, s15, $0xb8;
	[tilespmem:$0xB2C0] =	vst v63  }
0x19: {  	_ =	swait.ge [sflag:s17], $0x1000  }
0x1a: {  	[sflag:s17] =	ssyncset.done $0x0  }
0x1b: {  	[sflag:s17] =	ssyncadd.s32 $0xFFFFF000  }
0x1c: {  	[hbm4b:s6+s15] =	stream.strided.scatter [tilespmem:s16], [sflag:$0x3], $0x800, s18, s15, $0x38;
	[tilespmem:$0xB2C0] =	vst v63  }
0x1d: {  	_ =	swait.ge [sflag:s14], $0x800  }
0x1e: {  	[sflag:s14] =	ssyncset.done $0x0  }
0x1f: {  	s4 =	simm.s32 $0xAAC0;
	[sflag:s14] =	ssyncadd.s32 $0xFFFFF800  }
0x20: {  	[hbm4b:s7+s15] =	stream.strided.scatter [tilespmem:s4], [sflag:$0x3], $0x800, s18, s15, $0x38;
	[tilespmem:$0xB2C0] =	vst v63  }
0x21: {  	_ =	swait.ge [sflag:s14], $0x800  }
0x22: {  	[sflag:s14] =	ssyncset.done $0x0  }
0x23: {  	s19 =	sadd.s32 $0x0, s10;
	[sflag:s14] =	ssyncadd.s32 $0xFFFFF800  }
0x24: {  	[tilespmem:s2], [sflag:$0x3] =	stream.linear.gather [hbm4b:s19+s2], $0x280, $0x38;
	[tilespmem:$0xB2C0] =	vst v63  }
0x25: {  	_ =	swait.ge [sflag:s14], $0x280  }
0x26: {  	[sflag:s14] =	ssyncset.done $0x0  }
0x27: {  	[sflag:s14] =	ssyncadd.s32 $0xFFFFFD80  }
0x28: {  	[tilespmem:s20], [sflag:$0x1] =	stream.indirect.gather [hbm4b:s3+s18], $0x40, s2, s18, $0xb8;
	[tilespmem:$0xB2C0] =	vst v63  }
0x29: {  	_ = 	snop  }
0x2a: {  	[tilespmem:s21], [sflag:$0x1] =	stream.indirect.gather [hbm4b:s3+s18], $0x40, s18, s18, $0xb8;
	[tilespmem:$0xB2C0] =	vst v63  }
0x2b: {  	_ = 	snop  }
0x2c: {  	[tilespmem:s23], [sflag:$0x1] =	stream.indirect.gather [hbm4b:s3+s18], $0x40, s22, s18, $0xb8;
	[tilespmem:$0xB2C0] =	vst v63  }
0x2d: {  	_ = 	snop  }
0x2e: {  	[tilespmem:s25], [sflag:$0x1] =	stream.indirect.gather [hbm4b:s3+s18], $0x40, s24, s18, $0xb8;
	[tilespmem:$0xB2C0] =	vst v63  }
0x2f: {  	_ = 	snop  }
0x30: {  	[tilespmem:s28], [sflag:$0x1] =	stream.indirect.gather [hbm4b:s3+s18], $0x40, s26, s18, $0xb8;
	[tilespmem:$0xB2C0] =	vst v63  }
0x31: {  	_ =	swait.ge [sflag:s29], $0x2000  }
0x32: {  	[sflag:s29] =	ssyncset.done $0x0  }
0x33: {  	[sflag:s29] =	ssyncadd.s32 $0xFFFFE000  }
0x34: {  	_ =	swait.ge [sflag:s29], $0x2000  }
0x35: {  	[sflag:s29] =	ssyncset.done $0x0  }
0x36: {  	[sflag:s29] =	ssyncadd.s32 $0xFFFFE000  }
0x37: {  	_ =	swait.ge [sflag:s29], $0x2000  }
0x38: {  	[sflag:s29] =	ssyncset.done $0x0  }
0x39: {  	[sflag:s29] =	ssyncadd.s32 $0xFFFFE000  }
0x3a: {  	_ =	swait.ge [sflag:s29], $0x2000  }
0x3b: {  	[sflag:s29] =	ssyncset.done $0x0  }
0x3c: {  	[sflag:s29] =	ssyncadd.s32 $0xFFFFE000  }
0x3d: {  	_ =	swait.ge [sflag:s29], $0x2000  }
0x3e: {  	[sflag:s29] =	ssyncset.done $0x0  }
0x3f: {  	[sflag:s29] =	ssyncadd.s32 $0xFFFFE000  }
0x40: {  	[hbm4b:s9+s15] =	stream.strided.scatter [tilespmem:s20], [sflag:$0x3], $0xA000, s18, s15, $0x38;
	[tilespmem:$0xB2C0] =	vst v63  }
0x41: {  	s1 =	simm.s32 $0xA0;
	_ =	swait.ge [sflag:s14], $0xA000  }
0x42: {  	s31 =	sadd.s32 $0x2800, s9;
	s0 =	simm.s32 $0x50;
	[sflag:s14] =	ssyncset.done $0x0  }
.LBB2_2:
0x43: {  	s19 =	sadd.s32 s0, s10  }
0x44: {  	[sflag:s14] =	ssyncadd.s32 $0xFFFF6000;
	s0 =	smov.u32 s1;
	s4 =	sadd.s32 $0x50, s1  }
0x45: {  	[tilespmem:s2], [sflag:$0x3] =	stream.linear.gather [hbm4b:s19+s2], $0x280, $0x38;
	[tilespmem:$0xB2C0] =	vst v63  }
0x46: {  	p0 =	sne.s32 s1, $0x2D0;
	_ =	swait.ge [sflag:s14], $0x280  }
0x47: {  	[sflag:s14] =	ssyncset.done $0x0  }
0x48: {  	[sflag:s14] =	ssyncadd.s32 $0xFFFFFD80  }
0x49: {  	[tilespmem:s20], [sflag:$0x1] =	stream.indirect.gather [hbm4b:s3+s18], $0x40, s2, s18, $0xb8;
	[tilespmem:$0xB2C0] =	vst v63  }
0x4a: {  	_ = 	snop  }
0x4b: {  	[tilespmem:s21], [sflag:$0x1] =	stream.indirect.gather [hbm4b:s3+s18], $0x40, s18, s18, $0xb8;
	[tilespmem:$0xB2C0] =	vst v63  }
0x4c: {  	_ = 	snop  }
0x4d: {  	[tilespmem:s23], [sflag:$0x1] =	stream.indirect.gather [hbm4b:s3+s18], $0x40, s22, s18, $0xb8;
	[tilespmem:$0xB2C0] =	vst v63  }
0x4e: {  	_ = 	snop  }
0x4f: {  	[tilespmem:s25], [sflag:$0x1] =	stream.indirect.gather [hbm4b:s3+s18], $0x40, s24, s18, $0xb8;
	[tilespmem:$0xB2C0] =	vst v63  }
0x50: {  	_ = 	snop  }
0x51: {  	[tilespmem:s28], [sflag:$0x1] =	stream.indirect.gather [hbm4b:s3+s18], $0x40, s26, s18, $0xb8;
	[tilespmem:$0xB2C0] =	vst v63  }
0x52: {  	_ =	swait.ge [sflag:s29], $0x2000  }
0x53: {  	[sflag:s29] =	ssyncset.done $0x0  }
0x54: {  	[sflag:s29] =	ssyncadd.s32 $0xFFFFE000  }
0x55: {  	_ =	swait.ge [sflag:s29], $0x2000  }
0x56: {  	[sflag:s29] =	ssyncset.done $0x0  }
0x57: {  	[sflag:s29] =	ssyncadd.s32 $0xFFFFE000  }
0x58: {  	_ =	swait.ge [sflag:s29], $0x2000  }
0x59: {  	[sflag:s29] =	ssyncset.done $0x0  }
0x5a: {  	[sflag:s29] =	ssyncadd.s32 $0xFFFFE000  }
0x5b: {  	_ =	swait.ge [sflag:s29], $0x2000  }
0x5c: {  	[sflag:s29] =	ssyncset.done $0x0  }
0x5d: {  	[sflag:s29] =	ssyncadd.s32 $0xFFFFE000  }
0x5e: {  	_ =	swait.ge [sflag:s29], $0x2000  }
.Ltmp0:
0x5f: {  	[sflag:s29] =	ssyncset.done $0x0;
	(pc) =	sbr.rel @p0 .LBB2_2-.Ltmp0, $4  }
0x60: {  	[sflag:s29] =	ssyncadd.s32 $0xFFFFE000  }
0x61: {  	[hbm4b:s31+s15] =	stream.strided.scatter [tilespmem:s20], [sflag:$0x3], $0xA000, s18, s15, $0x38;
	[tilespmem:$0xB2C0] =	vst v63  }
0x62: {  	_ =	swait.ge [sflag:s14], $0xA000  }
0x63: {  	s1 =	smov.u32 s4;
	s31 =	sadd.s32 $0x2800, s31;
	[sflag:s14] =	ssyncset.done $0x0  }
0x64: {  	s0 =	sadd.s32 s0, s10;
	[sflag:s14] =	ssyncadd.s32 $0xFFFF6000  }
0x65: {  	[tilespmem:s2], [sflag:$0x3] =	stream.linear.gather [hbm4b:s0+s2], $0x280, $0x38;
	[tilespmem:$0xB2C0] =	vst v63  }
0x66: {  	_ =	swait.ge [sflag:s14], $0x280  }
0x67: {  	[sflag:s14] =	ssyncset.done $0x0  }
0x68: {  	[sflag:s14] =	ssyncadd.s32 $0xFFFFFD80  }
0x69: {  	[tilespmem:s20], [sflag:$0x1] =	stream.indirect.gather [hbm4b:s3+s18], $0x40, s2, s18, $0xb8;
	[tilespmem:$0xB2C0] =	vst v63  }
0x6a: {  	_ = 	snop  }
0x6b: {  	[tilespmem:s21], [sflag:$0x1] =	stream.indirect.gather [hbm4b:s3+s18], $0x40, s18, s18, $0xb8;
	[tilespmem:$0xB2C0] =	vst v63  }
0x6c: {  	_ = 	snop  }
0x6d: {  	[tilespmem:s23], [sflag:$0x1] =	stream.indirect.gather [hbm4b:s3+s18], $0x40, s22, s18, $0xb8;
	[tilespmem:$0xB2C0] =	vst v63  }
0x6e: {  	_ = 	snop  }
0x6f: {  	[tilespmem:s25], [sflag:$0x1] =	stream.indirect.gather [hbm4b:s3+s18], $0x40, s24, s18, $0xb8;
	[tilespmem:$0xB2C0] =	vst v63  }
0x70: {  	_ = 	snop  }
0x71: {  	[tilespmem:s28], [sflag:$0x1] =	stream.indirect.gather [hbm4b:s3+s18], $0x40, s26, s18, $0xb8;
	[tilespmem:$0xB2C0] =	vst v63  }
0x72: {  	_ =	swait.ge [sflag:s29], $0x2000  }
0x73: {  	[sflag:s29] =	ssyncset.done $0x0  }
0x74: {  	[sflag:s29] =	ssyncadd.s32 $0xFFFFE000  }
0x75: {  	_ =	swait.ge [sflag:s29], $0x2000  }
0x76: {  	[sflag:s29] =	ssyncset.done $0x0  }
0x77: {  	[sflag:s29] =	ssyncadd.s32 $0xFFFFE000  }
0x78: {  	_ =	swait.ge [sflag:s29], $0x2000  }
0x79: {  	[sflag:s29] =	ssyncset.done $0x0  }
0x7a: {  	[sflag:s29] =	ssyncadd.s32 $0xFFFFE000  }
0x7b: {  	_ =	swait.ge [sflag:s29], $0x2000  }
0x7c: {  	[sflag:s29] =	ssyncset.done $0x0  }
0x7d: {  	[sflag:s29] =	ssyncadd.s32 $0xFFFFE000  }
0x7e: {  	_ =	swait.ge [sflag:s29], $0x2000  }
0x7f: {  	[sflag:s29] =	ssyncset.done $0x0  }
0x80: {  	[sflag:s29] =	ssyncadd.s32 $0xFFFFE000  }
0x81: {  	[hbm4b:s31+s15] =	stream.strided.scatter [tilespmem:s20], [sflag:$0x3], $0xA000, s18, s15, $0x38;
	[tilespmem:$0xB2C0] =	vst v63  }
0x82: {  	_ =	swait.ge [sflag:s14], $0xA000  }
0x83: {  	[sflag:s14] =	ssyncset.done $0x0  }
0x84: {  	s19 =	sadd.s32 $0x20, s12;
	[sflag:s14] =	ssyncadd.s32 $0xFFFF6000  }
0x85: {  	[tilespmem:s2], [sflag:$0x3] =	stream.linear.gather [hbm4b:s19+s2], $0x280, $0x38;
	[tilespmem:$0xB2C0] =	vst v63  }
0x86: {  	_ =	swait.ge [sflag:s14], $0x280  }
0x87: {  	[sflag:s14] =	ssyncset.done $0x0  }
0x88: {  	[sflag:s14] =	ssyncadd.s32 $0xFFFFFD80  }
0x89: {  	[tilespmem:s20], [sflag:$0x1] =	stream.indirect.gather [hbm4b:s3+s18], $0x40, s2, s18, $0xb8;
	[tilespmem:$0xB2C0] =	vst v63  }
0x8a: {  	_ = 	snop  }
0x8b: {  	[tilespmem:s21], [sflag:$0x1] =	stream.indirect.gather [hbm4b:s3+s18], $0x40, s18, s18, $0xb8;
	[tilespmem:$0xB2C0] =	vst v63  }
0x8c: {  	_ = 	snop  }
0x8d: {  	[tilespmem:s23], [sflag:$0x1] =	stream.indirect.gather [hbm4b:s3+s18], $0x40, s22, s18, $0xb8;
	[tilespmem:$0xB2C0] =	vst v63  }
0x8e: {  	_ = 	snop  }
0x8f: {  	[tilespmem:s25], [sflag:$0x1] =	stream.indirect.gather [hbm4b:s3+s18], $0x40, s24, s18, $0xb8;
	[tilespmem:$0xB2C0] =	vst v63  }
0x90: {  	_ = 	snop  }
0x91: {  	[tilespmem:s28], [sflag:$0x1] =	stream.indirect.gather [hbm4b:s3+s18], $0x40, s26, s18, $0xb8;
	[tilespmem:$0xB2C0] =	vst v63  }
0x92: {  	_ =	swait.ge [sflag:s29], $0x2000  }
0x93: {  	[sflag:s29] =	ssyncset.done $0x0  }
0x94: {  	[sflag:s29] =	ssyncadd.s32 $0xFFFFE000  }
0x95: {  	_ =	swait.ge [sflag:s29], $0x2000  }
0x96: {  	[sflag:s29] =	ssyncset.done $0x0  }
0x97: {  	[sflag:s29] =	ssyncadd.s32 $0xFFFFE000  }
0x98: {  	_ =	swait.ge [sflag:s29], $0x2000  }
0x99: {  	[sflag:s29] =	ssyncset.done $0x0  }
0x9a: {  	[sflag:s29] =	ssyncadd.s32 $0xFFFFE000  }
0x9b: {  	_ =	swait.ge [sflag:s29], $0x2000  }
0x9c: {  	[sflag:s29] =	ssyncset.done $0x0  }
0x9d: {  	[sflag:s29] =	ssyncadd.s32 $0xFFFFE000  }
0x9e: {  	_ =	swait.ge [sflag:s29], $0x2000  }
0x9f: {  	[sflag:s29] =	ssyncset.done $0x0  }
0xa0: {  	[sflag:s29] =	ssyncadd.s32 $0xFFFFE000  }
0xa1: {  	[hbm4b:s11+s15] =	stream.strided.scatter [tilespmem:s20], [sflag:$0x3], $0xA000, s18, s15, $0x38;
	[tilespmem:$0xB2C0] =	vst v63  }
0xa2: {  	s1 =	simm.s32 $0xC0;
	_ =	swait.ge [sflag:s14], $0xA000  }
0xa3: {  	s0 =	simm.s32 $0x70;
	s31 =	sadd.s32 $0x2800, s11;
	[sflag:s14] =	ssyncset.done $0x0  }
.LBB2_4:
0xa4: {  	s4 =	sadd.s32 s0, s12  }
0xa5: {  	[sflag:s14] =	ssyncadd.s32 $0xFFFF6000;
	s0 =	smov.u32 s1;
	s19 =	sadd.s32 $0x50, s1  }
0xa6: {  	[tilespmem:s2], [sflag:$0x3] =	stream.linear.gather [hbm4b:s4+s2], $0x280, $0x38;
	[tilespmem:$0xB2C0] =	vst v63  }
0xa7: {  	p0 =	sne.s32 s1, $0x2F0;
	_ =	swait.ge [sflag:s14], $0x280  }
0xa8: {  	[sflag:s14] =	ssyncset.done $0x0  }
0xa9: {  	[sflag:s14] =	ssyncadd.s32 $0xFFFFFD80  }
0xaa: {  	[tilespmem:s20], [sflag:$0x1] =	stream.indirect.gather [hbm4b:s3+s18], $0x40, s2, s18, $0xb8;
	[tilespmem:$0xB2C0] =	vst v63  }
0xab: {  	_ = 	snop  }
0xac: {  	[tilespmem:s21], [sflag:$0x1] =	stream.indirect.gather [hbm4b:s3+s18], $0x40, s18, s18, $0xb8;
	[tilespmem:$0xB2C0] =	vst v63  }
0xad: {  	_ = 	snop  }
0xae: {  	[tilespmem:s23], [sflag:$0x1] =	stream.indirect.gather [hbm4b:s3+s18], $0x40, s22, s18, $0xb8;
	[tilespmem:$0xB2C0] =	vst v63  }
0xaf: {  	_ = 	snop  }
0xb0: {  	[tilespmem:s25], [sflag:$0x1] =	stream.indirect.gather [hbm4b:s3+s18], $0x40, s24, s18, $0xb8;
	[tilespmem:$0xB2C0] =	vst v63  }
0xb1: {  	_ = 	snop  }
0xb2: {  	[tilespmem:s28], [sflag:$0x1] =	stream.indirect.gather [hbm4b:s3+s18], $0x40, s26, s18, $0xb8;
	[tilespmem:$0xB2C0] =	vst v63  }
0xb3: {  	_ =	swait.ge [sflag:s29], $0x2000  }
0xb4: {  	[sflag:s29] =	ssyncset.done $0x0  }
0xb5: {  	[sflag:s29] =	ssyncadd.s32 $0xFFFFE000  }
0xb6: {  	_ =	swait.ge [sflag:s29], $0x2000  }
0xb7: {  	[sflag:s29] =	ssyncset.done $0x0  }
0xb8: {  	[sflag:s29] =	ssyncadd.s32 $0xFFFFE000  }
0xb9: {  	_ =	swait.ge [sflag:s29], $0x2000  }
0xba: {  	[sflag:s29] =	ssyncset.done $0x0  }
0xbb: {  	[sflag:s29] =	ssyncadd.s32 $0xFFFFE000  }
0xbc: {  	_ =	swait.ge [sflag:s29], $0x2000  }
0xbd: {  	[sflag:s29] =	ssyncset.done $0x0  }
0xbe: {  	[sflag:s29] =	ssyncadd.s32 $0xFFFFE000  }
0xbf: {  	_ =	swait.ge [sflag:s29], $0x2000  }
.Ltmp1:
0xc0: {  	[sflag:s29] =	ssyncset.done $0x0;
	(pc) =	sbr.rel @p0 .LBB2_4-.Ltmp1, $4  }
0xc1: {  	[sflag:s29] =	ssyncadd.s32 $0xFFFFE000  }
0xc2: {  	[hbm4b:s31+s15] =	stream.strided.scatter [tilespmem:s20], [sflag:$0x3], $0xA000, s18, s15, $0x38;
	[tilespmem:$0xB2C0] =	vst v63  }
0xc3: {  	_ =	swait.ge [sflag:s14], $0xA000  }
0xc4: {  	s1 =	smov.u32 s19;
	s31 =	sadd.s32 $0x2800, s31;
	[sflag:s14] =	ssyncset.done $0x0  }
0xc5: {  	s0 =	sadd.s32 s0, s12;
	[sflag:s14] =	ssyncadd.s32 $0xFFFF6000  }
0xc6: {  	[tilespmem:s2], [sflag:$0x3] =	stream.linear.gather [hbm4b:s0+s2], $0x280, $0x38;
	[tilespmem:$0xB2C0] =	vst v63  }
0xc7: {  	_ =	swait.ge [sflag:s14], $0x280  }
0xc8: {  	[sflag:s14] =	ssyncset.done $0x0  }
0xc9: {  	[sflag:s14] =	ssyncadd.s32 $0xFFFFFD80  }
0xca: {  	[tilespmem:s20], [sflag:$0x1] =	stream.indirect.gather [hbm4b:s3+s18], $0x40, s2, s18, $0xb8;
	[tilespmem:$0xB2C0] =	vst v63  }
0xcb: {  	_ = 	snop  }
0xcc: {  	[tilespmem:s21], [sflag:$0x1] =	stream.indirect.gather [hbm4b:s3+s18], $0x40, s18, s18, $0xb8;
	[tilespmem:$0xB2C0] =	vst v63  }
0xcd: {  	_ = 	snop  }
0xce: {  	[tilespmem:s23], [sflag:$0x1] =	stream.indirect.gather [hbm4b:s3+s18], $0x40, s22, s18, $0xb8;
	[tilespmem:$0xB2C0] =	vst v63  }
0xcf: {  	_ = 	snop  }
0xd0: {  	[tilespmem:s25], [sflag:$0x1] =	stream.indirect.gather [hbm4b:s3+s18], $0x40, s24, s18, $0xb8;
	[tilespmem:$0xB2C0] =	vst v63  }
0xd1: {  	_ = 	snop  }
0xd2: {  	[tilespmem:s28], [sflag:$0x1] =	stream.indirect.gather [hbm4b:s3+s18], $0x40, s26, s18, $0xb8;
	[tilespmem:$0xB2C0] =	vst v63  }
0xd3: {  	_ =	swait.ge [sflag:s29], $0x2000  }
0xd4: {  	[sflag:s29] =	ssyncset.done $0x0  }
0xd5: {  	[sflag:s29] =	ssyncadd.s32 $0xFFFFE000  }
0xd6: {  	_ =	swait.ge [sflag:s29], $0x2000  }
0xd7: {  	[sflag:s29] =	ssyncset.done $0x0  }
0xd8: {  	[sflag:s29] =	ssyncadd.s32 $0xFFFFE000  }
0xd9: {  	_ =	swait.ge [sflag:s29], $0x2000  }
0xda: {  	[sflag:s29] =	ssyncset.done $0x0  }
0xdb: {  	[sflag:s29] =	ssyncadd.s32 $0xFFFFE000  }
0xdc: {  	_ =	swait.ge [sflag:s29], $0x2000  }
0xdd: {  	[sflag:s29] =	ssyncset.done $0x0  }
0xde: {  	[sflag:s29] =	ssyncadd.s32 $0xFFFFE000  }
0xdf: {  	s30 =	sadd.s32 $0x1, s30;
	_ =	swait.ge [sflag:s29], $0x2000  }
0xe0: {  	p0 =	sne.s32 s30, s8;
	[sflag:s29] =	ssyncset.done $0x0  }
.Ltmp2:
0xe1: {  	[sflag:s29] =	ssyncadd.s32 $0xFFFFE000;
	(pc) =	sbr.rel @p0 .LBB2_1-.Ltmp2, $4  }
0xe2: {  	[hbm4b:s31+s15] =	stream.strided.scatter [tilespmem:s20], [sflag:$0x3], $0xA000, s18, s15, $0x38;
	[tilespmem:$0xB2C0] =	vst v63  }
0xe3: {  	_ =	swait.ge [sflag:s14], $0xA000  }
0xe4: {  	[sflag:s14] =	ssyncset.done $0x0  }
0xe5: {  	[sflag:s14] =	ssyncadd.s32 $0xFFFF6000  }
0xe6: {  	_ =	sfence.sel $0x180000  }
0xe7: {  	[bflag:$0x0] =	sbarrier.arrive $0xFFFF  }
0xe8: {  	_ =	strace $0x90000047  }
0xe9: {  	s0 =	stileid.u32;
	[bflag:$0x2] =	sbarrier.arrive $0xFFFF  }
0xea: {  	p0 =	sne.s32 s0, $0x0;
	s0 =	rddreg [dreg:$0x1]  }
0xeb: {  	s0 =	sadd.s32 @!p0 $0x100000, s0  }
0xec: {  	[sflag:s0] =	ssyncadd.tile.s32 @!p0 $0x1;
	_ =	shalt  }
.Lfunc_end2:
_tile_overlayer_lowered:
.L_overlay_start_2:
0xed: {  	(tag) =	ssettag $0x2  }
0xee: {  	s0 =	rddreg [dreg:$0x0];
	s2 =	stileid.u32  }
0xef: {  	s1 =	rddreg [dreg:$0x1];
	p0 =	sne.s32 s2, $0x0  }
0xf0: {  	s3 =	rddreg [dreg:$0x2];
	[bflag:$0x3] =	sbarrier.arrive $0xFFFF;
	s2 =	simm.s32 @!p0 $0x1C03  }
0xf1: {  	[timem:s3], [sflag:s2] =	dma.local @!p0 [hbm:s0], s1  }
0xf2: {  	s0 =	simm.s32 @!p0 $0x3  }
0xf3: {  	_ =	swait.ge @!p0 [sflag:s0], s1  }
0xf4: {  	s1 =	ssub.s32 @!p0 $0x0, s1;
	[sflag:s0] =	ssyncset.done @!p0 $0x0  }
0xf5: {  	[sflag:s0] =	ssyncadd.s32 @!p0 s1  }
0xf6: {  	[bflag:$0x3] =	sbarrier.arrive $0xFFFF  }
0xf7: {  	_ =	shalt  }

</sc_bundles>
